<compile_context>
chip_gen: v7x
topology: tpu7x:2x2x1
jax: 0.10.2.dev20260603
libtpu: 0.0.44.dev20260713+nightly
codegen_flags: <defaults>
</compile_context>

<pallas_src>
import functools

import jax
import jax.numpy as jnp
from jax import lax
from jax.experimental import pallas as pl
from jax.experimental.pallas import tpu as pltpu
from jax.experimental.pallas import tpu_sc as plsc

L = 16
NUM_WORKERS = 32
B = 128
NQ = 65536
NBLK = NQ // (L * L)
NSB = NBLK // L
TOP_K = 5
ROWS_PER_W = B // NUM_WORKERS
NEG = float("-inf")
BIG = 2.0**30
QPD = 256
CH = NQ // NSB


def _permute(x, idx):
    return lax.gather(
        x, idx[:, None],
        dimension_numbers=lax.GatherDimensionNumbers(
            offset_dims=(), collapsed_slice_dims=(0,), start_index_map=(0,)),
        slice_sizes=(1,),
        mode=lax.GatherScatterMode.PROMISE_IN_BOUNDS,
        unique_indices=True)


def _allmax(x, lane):
    for s in (1, 2, 4, 8):
        x = jnp.maximum(x, _permute(x, lane ^ s))
    return x


def _allmin(x, lane):
    for s in (1, 2, 4, 8):
        x = jnp.minimum(x, _permute(x, lane ^ s))
    return x


def _splat_at(vec, lane, pos):
    return _allmax(
        jnp.where(lane == pos, vec, 0).astype(jnp.float32), lane
    ).astype(jnp.int32)


def _tec_body(cam_hbm, fs_hbm, out_hbm, row_v, lanemax_v, lm2_v, fs_v,
              outst_v, sem):
    wid = lax.axis_index("s") * 2 + lax.axis_index("c")
    lane = lax.iota(jnp.int32, L)

    pltpu.sync_copy(fs_hbm, fs_v.at[pl.ds(0, 4)])
    fsv = fs_v[...]
    hh = _splat_at(fsv, lane, 2)
    ww = _splat_at(fsv, lane, 3)

    def row_body(rr, _):
        row = wid * ROWS_PER_W + rr

        for c in range(NSB):
            pltpu.async_copy(
                cam_hbm.at[row, 1, pl.ds(c * CH, CH)],
                row_v.at[pl.ds(c * CH, CH)], sem)

        def sb_body(s, _):
            pltpu.make_async_copy(
                cam_hbm.at[0, 1, pl.ds(0, CH)],
                row_v.at[pl.ds(0, CH)], sem).wait()

            @plsc.parallel_loop(s * L, (s + 1) * L, step=1, unroll=2,
                                carry=jnp.full((L,), NEG, jnp.float32))
            def blk(b, l2):
                base = b * (L * L)
                vs = [row_v[pl.ds(base + k * L, L)] for k in range(L)]
                while len(vs) > 1:
                    vs = [jnp.maximum(vs[p], vs[p + 1])
                          for p in range(0, len(vs), 2)]
                lanemax_v[pl.ds(b * L, L)] = vs[0]
                return jnp.maximum(l2, vs[0])

            lm2_v[pl.ds(s * L, L)] = blk
            return 0

        lax.fori_loop(0, NSB, sb_body, 0)

        def extract(i, outz):
            cv = jnp.full((L,), NEG, jnp.float32)
            cs = jnp.zeros((L,), jnp.int32)
            for s in range(NSB):
                x = lm2_v[pl.ds(s * L, L)]
                m = x > cv
                cv = jnp.where(m, x, cv)
                cs = jnp.where(m, s, cs)
            gmax = _allmax(cv, lane)
            swin = _allmin(
                jnp.where(cv == gmax, cs.astype(jnp.float32), BIG),
                lane).astype(jnp.int32)

            bf = jnp.full((L,), BIG, jnp.float32)
            for t in range(L):
                g_t = plsc.load_gather(
                    lanemax_v, [swin * (L * L) + t * L + lane])
                bf = jnp.minimum(bf, jnp.where(g_t == gmax, float(t), BIG))
            bwin = swin * L + _allmin(bf, lane).astype(jnp.int32)

            best = jnp.full((L,), BIG, jnp.float32)
            for t in range(L):
                idx_t = bwin * (L * L) + L * lane + t
                vals_t = plsc.load_gather(row_v, [idx_t])
                best = jnp.minimum(
                    best, jnp.where(vals_t == gmax,
                                    idx_t.astype(jnp.float32), BIG))
            gwin = _allmin(best, lane).astype(jnp.int32)

            gbase = (gwin & ~jnp.int32(255)) | (gwin & 15)
            idxvec = gbase + L * lane
            vals = plsc.load_gather(row_v, [idxvec])
            vals = jnp.where(idxvec == gwin, NEG, vals)
            plsc.store_scatter(row_v, [idxvec], vals)
            m2 = _allmax(vals, lane)
            jhat = gwin & 15
            lmidx = ((gwin >> 8) << 4) + lane
            cur_l = plsc.load_gather(lanemax_v, [lmidx])
            plsc.store_scatter(lanemax_v, [lmidx],
                               jnp.where(lane == jhat, m2, cur_l))
            col = plsc.load_gather(
                lanemax_v, [((gwin >> 12) << 8) + L * lane + jhat])
            m3 = _allmax(col, lane)
            lmidx2 = ((gwin >> 12) << 4) + lane
            cur2 = plsc.load_gather(lm2_v, [lmidx2])
            plsc.store_scatter(lm2_v, [lmidx2],
                               jnp.where(lane == jhat, m3, cur2))

            x_c = gwin % QPD
            y_c = gwin // QPD
            sx = (x_c * ww) // QPD
            sy = (y_c * hh) // QPD
            outz = jnp.where(lane == 2 * i, sx, outz)
            return jnp.where(lane == 2 * i + 1, sy, outz)

        outz = lax.fori_loop(0, TOP_K, extract, jnp.zeros((L,), jnp.int32))
        plsc.store_scatter(outst_v, [rr * (2 * TOP_K) + lane], outz)
        return 0

    lax.fori_loop(0, ROWS_PER_W, row_body, 0)
    opw = ROWS_PER_W * 2 * TOP_K
    pltpu.sync_copy(outst_v.at[pl.ds(0, opw)],
                    out_hbm.at[pl.ds(wid * opw, opw)])


@functools.partial(
    pl.kernel,
    out_type=jax.ShapeDtypeStruct((B * 2 * TOP_K,), jnp.int32),
    mesh=plsc.VectorSubcoreMesh(core_axis_name="c", subcore_axis_name="s"),
    compiler_params=pltpu.CompilerParams(needs_layout_passes=False),
    scratch_types=[
        pltpu.VMEM((NQ,), jnp.float32),
        pltpu.VMEM((NBLK * L,), jnp.float32),
        pltpu.VMEM((NSB * L,), jnp.float32),
        pltpu.VMEM((L,), jnp.int32),
        pltpu.VMEM((ROWS_PER_W * 2 * TOP_K + L,), jnp.int32),
        pltpu.SemaphoreType.DMA,
    ],
)
def _sc_topk(cam_hbm, fs_hbm, out_hbm, row_v, lanemax_v, lm2_v, fs_v,
             outst_v, sem):
    _tec_body(cam_hbm, fs_hbm, out_hbm, row_v, lanemax_v, lm2_v, fs_v,
              outst_v, sem)


def kernel(cam, features_shape):
    out = _sc_topk(cam, features_shape.astype(jnp.int32))
    return out.reshape(B, TOP_K, 2)

# --- scband reference (transcript-rebuilt; emitter-appended) ---
"""Pipeline reference for scband-point-extractor-31731218383263 (READ-ONLY COPY).

The authoritative reference and input builder live on the scoring server;
editing this copy changes nothing except your own understanding.
"""

import math
import jax, jax.numpy as jnp
import numpy as np


def setup_inputs(seed: int = 0) -> dict:
    key = jax.random.key(seed)
    cam = jax.random.normal(jax.random.fold_in(key, 0), (128, 2, 65536), dtype=jnp.float32)
    # features_shape acts as the (B, C, H, W) tuple; arange fill -> (0, 1, 2, 3)
    features_shape = jnp.arange(4)
    return {"cam": cam, "features_shape": features_shape}


def reference(cam, features_shape):
    B, num_classes, num_queries = cam.shape
    top_k = 5
    H = features_shape[2]
    W = features_shape[3]
    tumor_cam = cam[:, 1, :]  # [B, num_queries]
    _, top_indices = jax.lax.top_k(tumor_cam, top_k)  # [B, top_k]
    queries_per_dim = int(math.sqrt(num_queries))  # 256
    y = top_indices // queries_per_dim
    x = top_indices % queries_per_dim
    # int(x * W / q) with nonnegative ints == integer floor division (x * W) // q
    scaled_x = (x * W) // queries_per_dim
    scaled_y = (y * H) // queries_per_dim
    # torch module returns nested python lists [[ [sx, sy] x top_k ] x B];
    # equivalent array form [B, top_k, 2] with last dim = (scaled_x, scaled_y)
    points = jnp.stack([scaled_x, scaled_y], axis=-1)
    return points

if __name__ == "__main__":
    import jax
    _d = setup_inputs()
    print(jax.jit(kernel)(*tuple(_d.values())))

</pallas_src>

<mosaic_0001>
#map = affine_map<(d0, d1) -> (0, 0, 0)>
#map1 = affine_map<(d0, d1) -> (0)>
module attributes {stable_mosaic.version = 14 : i64} {
  func.func @_sc_topk(%arg0: i32, %arg1: i32, %arg2: memref<128x2x65536xf32, #tpu.memory_space<hbm>>, %arg3: memref<4xi32, #tpu.memory_space<hbm>>, %arg4: memref<1280xi32, #tpu.memory_space<hbm>>, %arg5: memref<65536xf32, #tpu.memory_space<vmem>>, %arg6: memref<4096xf32, #tpu.memory_space<vmem>>, %arg7: memref<256xf32, #tpu.memory_space<vmem>>, %arg8: memref<16xi32, #tpu.memory_space<vmem>>, %arg9: memref<56xi32, #tpu.memory_space<vmem>>, %arg10: memref<!tpu.dma_semaphore, #tpu.memory_space<semaphore_mem>>) attributes {dimension_semantics = [#tpu.dimension_semantics<core_parallel>, #tpu.dimension_semantics<subcore_parallel>], iteration_bounds = array<i64: 2, 16>, scalar_prefetch = 0 : i64, scratch_operands = 6 : i64, tpu.core_type = #tpu.core_type<sc_vector_subcore>, window_params = [{transform_indices = #map}, {transform_indices = #map1}, {transform_indices = #map1}]} {
    %mul3A = arith.constant 2 : i32
    %mul3A_0 = arith.muli %arg1, %mul3A : i32
    %add3A = arith.addi %mul3A_0, %arg0 : i32
    %iota3A = tpu.iota {dimensions = array<i32: 0>} : vector<16xi32>
    "tpu.region"() ({
      %run_scoped3A = tpu.sem_alloc : memref<!tpu.dma_semaphore, #tpu.memory_space<semaphore_mem>>
      %dma_start3A = arith.constant 0 : i32
      %dma_start3A_74 = tpu.memref_slice %arg8[%dma_start3A] : memref<16xi32, #tpu.memory_space<vmem>> -> memref<4xi32, #tpu.memory_space<vmem>>
      %dma_start3A_75 = arith.constant 0 : i32
      %dma_start3A_76 = tpu.memref_slice %arg8[%dma_start3A_75] : memref<16xi32, #tpu.memory_space<vmem>> -> memref<4xi32, #tpu.memory_space<vmem>>
      tpu.enqueue_dma source(%arg3 : memref<4xi32, #tpu.memory_space<hbm>>) target(%dma_start3A_76 : memref<4xi32, #tpu.memory_space<vmem>>) target_semaphore(%run_scoped3A : memref<!tpu.dma_semaphore, #tpu.memory_space<semaphore_mem>>)
      %dma_wait3A = arith.constant 0 : i32
      %dma_wait3A_77 = tpu.memref_slice %arg8[%dma_wait3A] : memref<16xi32, #tpu.memory_space<vmem>> -> memref<4xi32, #tpu.memory_space<vmem>>
      %dma_wait3A_78 = arith.constant 0 : i32
      %dma_wait3A_79 = tpu.memref_slice %arg8[%dma_wait3A_78] : memref<16xi32, #tpu.memory_space<vmem>> -> memref<4xi32, #tpu.memory_space<vmem>>
      tpu.wait_dma2 semaphore(%run_scoped3A : memref<!tpu.dma_semaphore, #tpu.memory_space<semaphore_mem>>) src(%arg3 : memref<4xi32, #tpu.memory_space<hbm>>) dst(%dma_wait3A_79 : memref<4xi32, #tpu.memory_space<vmem>>)
      tpu.yield
    }) : () -> ()
    %get3A = arith.constant 0 : index
    %get3A_1 = tpu.vector_load %arg8[%get3A] {strides = array<i32>} : memref<16xi32, #tpu.memory_space<vmem>>, vector<16xi32>,
    %eq3A = arith.constant 2 : i32
    %eq3A_2 = vector.broadcast %eq3A : i32 to vector<16xi32>
    %eq3A_3 = arith.cmpi eq, %iota3A, %eq3A_2 : vector<16xi32>
    %jit3A = arith.constant 0 : i32
    %broadcast_in_dim3A = vector.broadcast %jit3A : i32 to vector<16xi32>
    %select_n3A = arith.select %eq3A_3, %get3A_1, %broadcast_in_dim3A : vector<16xi1>, vector<16xi32>
    %convert_element_type3A = arith.sitofp %select_n3A : vector<16xi32> to vector<16xf32>
    %xor3A = arith.constant 1 : i32
    %xor3A_4 = vector.broadcast %xor3A : i32 to vector<16xi32>
    %xor3A_5 = arith.xori %iota3A, %xor3A_4 : vector<16xi32>
    %broadcast_in_dim3A_6 = vector.shape_cast %xor3A_5 : vector<16xi32> to vector<16x1xi32>
    %gather3A = vector.shape_cast %broadcast_in_dim3A_6 : vector<16x1xi32> to vector<16xi32>
    %gather3A_7 = tpu.dynamic_gather %convert_element_type3A[%gather3A] in [0] : vector<16xf32>, vector<16xi32> -> vector<16xf32>
    %max3A = arith.maximumf %convert_element_type3A, %gather3A_7 : vector<16xf32>
    %xor3A_8 = arith.constant 2 : i32
    %xor3A_9 = vector.broadcast %xor3A_8 : i32 to vector<16xi32>
    %xor3A_10 = arith.xori %iota3A, %xor3A_9 : vector<16xi32>
    %broadcast_in_dim3A_11 = vector.shape_cast %xor3A_10 : vector<16xi32> to vector<16x1xi32>
    %gather3A_12 = vector.shape_cast %broadcast_in_dim3A_11 : vector<16x1xi32> to vector<16xi32>
    %gather3A_13 = tpu.dynamic_gather %max3A[%gather3A_12] in [0] : vector<16xf32>, vector<16xi32> -> vector<16xf32>
    %max3A_14 = arith.maximumf %max3A, %gather3A_13 : vector<16xf32>
    %xor3A_15 = arith.constant 4 : i32
    %xor3A_16 = vector.broadcast %xor3A_15 : i32 to vector<16xi32>
    %xor3A_17 = arith.xori %iota3A, %xor3A_16 : vector<16xi32>
    %broadcast_in_dim3A_18 = vector.shape_cast %xor3A_17 : vector<16xi32> to vector<16x1xi32>
    %gather3A_19 = vector.shape_cast %broadcast_in_dim3A_18 : vector<16x1xi32> to vector<16xi32>
    %gather3A_20 = tpu.dynamic_gather %max3A_14[%gather3A_19] in [0] : vector<16xf32>, vector<16xi32> -> vector<16xf32>
    %max3A_21 = arith.maximumf %max3A_14, %gather3A_20 : vector<16xf32>
    %xor3A_22 = arith.constant 8 : i32
    %xor3A_23 = vector.broadcast %xor3A_22 : i32 to vector<16xi32>
    %xor3A_24 = arith.xori %iota3A, %xor3A_23 : vector<16xi32>
    %broadcast_in_dim3A_25 = vector.shape_cast %xor3A_24 : vector<16xi32> to vector<16x1xi32>
    %gather3A_26 = vector.shape_cast %broadcast_in_dim3A_25 : vector<16x1xi32> to vector<16xi32>
    %gather3A_27 = tpu.dynamic_gather %max3A_21[%gather3A_26] in [0] : vector<16xf32>, vector<16xi32> -> vector<16xf32>
    %max3A_28 = arith.maximumf %max3A_21, %gather3A_27 : vector<16xf32>
    %convert_element_type3A_29 = arith.fptosi %max3A_28 : vector<16xf32> to vector<16xi32>
    %eq3A_30 = arith.constant 3 : i32
    %eq3A_31 = vector.broadcast %eq3A_30 : i32 to vector<16xi32>
    %eq3A_32 = arith.cmpi eq, %iota3A, %eq3A_31 : vector<16xi32>
    %jit3A_33 = arith.constant 0 : i32
    %broadcast_in_dim3A_34 = vector.broadcast %jit3A_33 : i32 to vector<16xi32>
    %select_n3A_35 = arith.select %eq3A_32, %get3A_1, %broadcast_in_dim3A_34 : vector<16xi1>, vector<16xi32>
    %convert_element_type3A_36 = arith.sitofp %select_n3A_35 : vector<16xi32> to vector<16xf32>
    %xor3A_37 = arith.constant 1 : i32
    %xor3A_38 = vector.broadcast %xor3A_37 : i32 to vector<16xi32>
    %xor3A_39 = arith.xori %iota3A, %xor3A_38 : vector<16xi32>
    %broadcast_in_dim3A_40 = vector.shape_cast %xor3A_39 : vector<16xi32> to vector<16x1xi32>
    %gather3A_41 = vector.shape_cast %broadcast_in_dim3A_40 : vector<16x1xi32> to vector<16xi32>
    %gather3A_42 = tpu.dynamic_gather %convert_element_type3A_36[%gather3A_41] in [0] : vector<16xf32>, vector<16xi32> -> vector<16xf32>
    %max3A_43 = arith.maximumf %convert_element_type3A_36, %gather3A_42 : vector<16xf32>
    %xor3A_44 = arith.constant 2 : i32
    %xor3A_45 = vector.broadcast %xor3A_44 : i32 to vector<16xi32>
    %xor3A_46 = arith.xori %iota3A, %xor3A_45 : vector<16xi32>
    %broadcast_in_dim3A_47 = vector.shape_cast %xor3A_46 : vector<16xi32> to vector<16x1xi32>
    %gather3A_48 = vector.shape_cast %broadcast_in_dim3A_47 : vector<16x1xi32> to vector<16xi32>
    %gather3A_49 = tpu.dynamic_gather %max3A_43[%gather3A_48] in [0] : vector<16xf32>, vector<16xi32> -> vector<16xf32>
    %max3A_50 = arith.maximumf %max3A_43, %gather3A_49 : vector<16xf32>
    %xor3A_51 = arith.constant 4 : i32
    %xor3A_52 = vector.broadcast %xor3A_51 : i32 to vector<16xi32>
    %xor3A_53 = arith.xori %iota3A, %xor3A_52 : vector<16xi32>
    %broadcast_in_dim3A_54 = vector.shape_cast %xor3A_53 : vector<16xi32> to vector<16x1xi32>
    %gather3A_55 = vector.shape_cast %broadcast_in_dim3A_54 : vector<16x1xi32> to vector<16xi32>
    %gather3A_56 = tpu.dynamic_gather %max3A_50[%gather3A_55] in [0] : vector<16xf32>, vector<16xi32> -> vector<16xf32>
    %max3A_57 = arith.maximumf %max3A_50, %gather3A_56 : vector<16xf32>
    %xor3A_58 = arith.constant 8 : i32
    %xor3A_59 = vector.broadcast %xor3A_58 : i32 to vector<16xi32>
    %xor3A_60 = arith.xori %iota3A, %xor3A_59 : vector<16xi32>
    %broadcast_in_dim3A_61 = vector.shape_cast %xor3A_60 : vector<16xi32> to vector<16x1xi32>
    %gather3A_62 = vector.shape_cast %broadcast_in_dim3A_61 : vector<16x1xi32> to vector<16xi32>
    %gather3A_63 = tpu.dynamic_gather %max3A_57[%gather3A_62] in [0] : vector<16xf32>, vector<16xi32> -> vector<16xf32>
    %max3A_64 = arith.maximumf %max3A_57, %gather3A_63 : vector<16xf32>
    %convert_element_type3A_65 = arith.fptosi %max3A_64 : vector<16xf32> to vector<16xi32>
    %scan3A = arith.constant 0 : i32
    %scan3A_66 = arith.constant 0 : i32
    %scan3A_67 = arith.constant 4 : i32
    %scan3A_68 = arith.addi %scan3A_66, %scan3A_67 : i32
    %scan3A_69 = arith.constant 1 : i32
    %scan3A_70 = scf.for %scan3A_74 = %scan3A_66 to %scan3A_68 step %scan3A_69 iter_args(%scan3A_75 = %scan3A) -> (i32)  : i32 {
      %mul3A_76 = arith.constant 4 : i32
      %mul3A_77 = arith.muli %add3A, %mul3A_76 : i32
      %add3A_78 = arith.addi %mul3A_77, %scan3A_74 : i32
      %dma_start3A = arith.constant 1 : i32
      %dma_start3A_79 = arith.constant 0 : i32
      %dma_start3A_80 = tpu.memref_slice %arg5[%dma_start3A_79] : memref<65536xf32, #tpu.memory_space<vmem>> -> memref<4096xf32, #tpu.memory_space<vmem>>
      %dma_start3A_81 = arith.constant 0 : i32
      %dma_start3A_82 = tpu.memref_slice %arg2[%add3A_78, %dma_start3A, %dma_start3A_81] : memref<128x2x65536xf32, #tpu.memory_space<hbm>> -> memref<1x1x4096xf32, #tpu.memory_space<hbm>>
      %dma_start3A_83 = tpu.memref_squeeze %dma_start3A_82 : memref<1x1x4096xf32, #tpu.memory_space<hbm>> -> memref<4096xf32, #tpu.memory_space<hbm>>
      %dma_start3A_84 = arith.constant 0 : i32
      %dma_start3A_85 = tpu.memref_slice %arg5[%dma_start3A_84] : memref<65536xf32, #tpu.memory_space<vmem>> -> memref<4096xf32, #tpu.memory_space<vmem>>
      %dma_start3A_86 = arith.constant 0 : i32
      %dma_start3A_87 = tpu.memref_slice %arg2[%add3A_78, %dma_start3A, %dma_start3A_86] : memref<128x2x65536xf32, #tpu.memory_space<hbm>> -> memref<1x1x4096xf32, #tpu.memory_space<hbm>>
      %dma_start3A_88 = tpu.memref_squeeze %dma_start3A_87 : memref<1x1x4096xf32, #tpu.memory_space<hbm>> -> memref<4096xf32, #tpu.memory_space<hbm>>
      tpu.enqueue_dma source(%dma_start3A_88 : memref<4096xf32, #tpu.memory_space<hbm>>) target(%dma_start3A_85 : memref<4096xf32, #tpu.memory_space<vmem>>) target_semaphore(%arg10 : memref<!tpu.dma_semaphore, #tpu.memory_space<semaphore_mem>>)
      %dma_start3A_89 = arith.constant 1 : i32
      %dma_start3A_90 = arith.constant 4096 : i32
      %dma_start3A_91 = tpu.memref_slice %arg5[%dma_start3A_90] : memref<65536xf32, #tpu.memory_space<vmem>> -> memref<4096xf32, #tpu.memory_space<vmem>>
      %dma_start3A_92 = arith.constant 4096 : i32
      %dma_start3A_93 = tpu.memref_slice %arg2[%add3A_78, %dma_start3A_89, %dma_start3A_92] : memref<128x2x65536xf32, #tpu.memory_space<hbm>> -> memref<1x1x4096xf32, #tpu.memory_space<hbm>>
      %dma_start3A_94 = tpu.memref_squeeze %dma_start3A_93 : memref<1x1x4096xf32, #tpu.memory_space<hbm>> -> memref<4096xf32, #tpu.memory_space<hbm>>
      %dma_start3A_95 = arith.constant 4096 : i32
      %dma_start3A_96 = tpu.memref_slice %arg5[%dma_start3A_95] : memref<65536xf32, #tpu.memory_space<vmem>> -> memref<4096xf32, #tpu.memory_space<vmem>>
      %dma_start3A_97 = arith.constant 4096 : i32
      %dma_start3A_98 = tpu.memref_slice %arg2[%add3A_78, %dma_start3A_89, %dma_start3A_97] : memref<128x2x65536xf32, #tpu.memory_space<hbm>> -> memref<1x1x4096xf32, #tpu.memory_space<hbm>>
      %dma_start3A_99 = tpu.memref_squeeze %dma_start3A_98 : memref<1x1x4096xf32, #tpu.memory_space<hbm>> -> memref<4096xf32, #tpu.memory_space<hbm>>
      tpu.enqueue_dma source(%dma_start3A_99 : memref<4096xf32, #tpu.memory_space<hbm>>) target(%dma_start3A_96 : memref<4096xf32, #tpu.memory_space<vmem>>) target_semaphore(%arg10 : memref<!tpu.dma_semaphore, #tpu.memory_space<semaphore_mem>>)
      %dma_start3A_100 = arith.constant 1 : i32
      %dma_start3A_101 = arith.constant 8192 : i32
      %dma_start3A_102 = tpu.memref_slice %arg5[%dma_start3A_101] : memref<65536xf32, #tpu.memory_space<vmem>> -> memref<4096xf32, #tpu.memory_space<vmem>>
      %dma_start3A_103 = arith.constant 8192 : i32
      %dma_start3A_104 = tpu.memref_slice %arg2[%add3A_78, %dma_start3A_100, %dma_start3A_103] : memref<128x2x65536xf32, #tpu.memory_space<hbm>> -> memref<1x1x4096xf32, #tpu.memory_space<hbm>>
      %dma_start3A_105 = tpu.memref_squeeze %dma_start3A_104 : memref<1x1x4096xf32, #tpu.memory_space<hbm>> -> memref<4096xf32, #tpu.memory_space<hbm>>
      %dma_start3A_106 = arith.constant 8192 : i32
      %dma_start3A_107 = tpu.memref_slice %arg5[%dma_start3A_106] : memref<65536xf32, #tpu.memory_space<vmem>> -> memref<4096xf32, #tpu.memory_space<vmem>>
      %dma_start3A_108 = arith.constant 8192 : i32
      %dma_start3A_109 = tpu.memref_slice %arg2[%add3A_78, %dma_start3A_100, %dma_start3A_108] : memref<128x2x65536xf32, #tpu.memory_space<hbm>> -> memref<1x1x4096xf32, #tpu.memory_space<hbm>>
      %dma_start3A_110 = tpu.memref_squeeze %dma_start3A_109 : memref<1x1x4096xf32, #tpu.memory_space<hbm>> -> memref<4096xf32, #tpu.memory_space<hbm>>
      tpu.enqueue_dma source(%dma_start3A_110 : memref<4096xf32, #tpu.memory_space<hbm>>) target(%dma_start3A_107 : memref<4096xf32, #tpu.memory_space<vmem>>) target_semaphore(%arg10 : memref<!tpu.dma_semaphore, #tpu.memory_space<semaphore_mem>>)
      %dma_start3A_111 = arith.constant 1 : i32
      %dma_start3A_112 = arith.constant 12288 : i32
      %dma_start3A_113 = tpu.memref_slice %arg5[%dma_start3A_112] : memref<65536xf32, #tpu.memory_space<vmem>> -> memref<4096xf32, #tpu.memory_space<vmem>>
      %dma_start3A_114 = arith.constant 12288 : i32
      %dma_start3A_115 = tpu.memref_slice %arg2[%add3A_78, %dma_start3A_111, %dma_start3A_114] : memref<128x2x65536xf32, #tpu.memory_space<hbm>> -> memref<1x1x4096xf32, #tpu.memory_space<hbm>>
      %dma_start3A_116 = tpu.memref_squeeze %dma_start3A_115 : memref<1x1x4096xf32, #tpu.memory_space<hbm>> -> memref<4096xf32, #tpu.memory_space<hbm>>
      %dma_start3A_117 = arith.constant 12288 : i32
      %dma_start3A_118 = tpu.memref_slice %arg5[%dma_start3A_117] : memref<65536xf32, #tpu.memory_space<vmem>> -> memref<4096xf32, #tpu.memory_space<vmem>>
      %dma_start3A_119 = arith.constant 12288 : i32
      %dma_start3A_120 = tpu.memref_slice %arg2[%add3A_78, %dma_start3A_111, %dma_start3A_119] : memref<128x2x65536xf32, #tpu.memory_space<hbm>> -> memref<1x1x4096xf32, #tpu.memory_space<hbm>>
      %dma_start3A_121 = tpu.memref_squeeze %dma_start3A_120 : memref<1x1x4096xf32, #tpu.memory_space<hbm>> -> memref<4096xf32, #tpu.memory_space<hbm>>
      tpu.enqueue_dma source(%dma_start3A_121 : memref<4096xf32, #tpu.memory_space<hbm>>) target(%dma_start3A_118 : memref<4096xf32, #tpu.memory_space<vmem>>) target_semaphore(%arg10 : memref<!tpu.dma_semaphore, #tpu.memory_space<semaphore_mem>>)
      %dma_start3A_122 = arith.constant 1 : i32
      %dma_start3A_123 = arith.constant 16384 : i32
      %dma_start3A_124 = tpu.memref_slice %arg5[%dma_start3A_123] : memref<65536xf32, #tpu.memory_space<vmem>> -> memref<4096xf32, #tpu.memory_space<vmem>>
      %dma_start3A_125 = arith.constant 16384 : i32
      %dma_start3A_126 = tpu.memref_slice %arg2[%add3A_78, %dma_start3A_122, %dma_start3A_125] : memref<128x2x65536xf32, #tpu.memory_space<hbm>> -> memref<1x1x4096xf32, #tpu.memory_space<hbm>>
      %dma_start3A_127 = tpu.memref_squeeze %dma_start3A_126 : memref<1x1x4096xf32, #tpu.memory_space<hbm>> -> memref<4096xf32, #tpu.memory_space<hbm>>
      %dma_start3A_128 = arith.constant 16384 : i32
      %dma_start3A_129 = tpu.memref_slice %arg5[%dma_start3A_128] : memref<65536xf32, #tpu.memory_space<vmem>> -> memref<4096xf32, #tpu.memory_space<vmem>>
      %dma_start3A_130 = arith.constant 16384 : i32
      %dma_start3A_131 = tpu.memref_slice %arg2[%add3A_78, %dma_start3A_122, %dma_start3A_130] : memref<128x2x65536xf32, #tpu.memory_space<hbm>> -> memref<1x1x4096xf32, #tpu.memory_space<hbm>>
      %dma_start3A_132 = tpu.memref_squeeze %dma_start3A_131 : memref<1x1x4096xf32, #tpu.memory_space<hbm>> -> memref<4096xf32, #tpu.memory_space<hbm>>
      tpu.enqueue_dma source(%dma_start3A_132 : memref<4096xf32, #tpu.memory_space<hbm>>) target(%dma_start3A_129 : memref<4096xf32, #tpu.memory_space<vmem>>) target_semaphore(%arg10 : memref<!tpu.dma_semaphore, #tpu.memory_space<semaphore_mem>>)
      %dma_start3A_133 = arith.constant 1 : i32
      %dma_start3A_134 = arith.constant 20480 : i32
      %dma_start3A_135 = tpu.memref_slice %arg5[%dma_start3A_134] : memref<65536xf32, #tpu.memory_space<vmem>> -> memref<4096xf32, #tpu.memory_space<vmem>>
      %dma_start3A_136 = arith.constant 20480 : i32
      %dma_start3A_137 = tpu.memref_slice %arg2[%add3A_78, %dma_start3A_133, %dma_start3A_136] : memref<128x2x65536xf32, #tpu.memory_space<hbm>> -> memref<1x1x4096xf32, #tpu.memory_space<hbm>>
      %dma_start3A_138 = tpu.memref_squeeze %dma_start3A_137 : memref<1x1x4096xf32, #tpu.memory_space<hbm>> -> memref<4096xf32, #tpu.memory_space<hbm>>
      %dma_start3A_139 = arith.constant 20480 : i32
      %dma_start3A_140 = tpu.memref_slice %arg5[%dma_start3A_139] : memref<65536xf32, #tpu.memory_space<vmem>> -> memref<4096xf32, #tpu.memory_space<vmem>>
      %dma_start3A_141 = arith.constant 20480 : i32
      %dma_start3A_142 = tpu.memref_slice %arg2[%add3A_78, %dma_start3A_133, %dma_start3A_141] : memref<128x2x65536xf32, #tpu.memory_space<hbm>> -> memref<1x1x4096xf32, #tpu.memory_space<hbm>>
      %dma_start3A_143 = tpu.memref_squeeze %dma_start3A_142 : memref<1x1x4096xf32, #tpu.memory_space<hbm>> -> memref<4096xf32, #tpu.memory_space<hbm>>
      tpu.enqueue_dma source(%dma_start3A_143 : memref<4096xf32, #tpu.memory_space<hbm>>) target(%dma_start3A_140 : memref<4096xf32, #tpu.memory_space<vmem>>) target_semaphore(%arg10 : memref<!tpu.dma_semaphore, #tpu.memory_space<semaphore_mem>>)
      %dma_start3A_144 = arith.constant 1 : i32
      %dma_start3A_145 = arith.constant 24576 : i32
      %dma_start3A_146 = tpu.memref_slice %arg5[%dma_start3A_145] : memref<65536xf32, #tpu.memory_space<vmem>> -> memref<4096xf32, #tpu.memory_space<vmem>>
      %dma_start3A_147 = arith.constant 24576 : i32
      %dma_start3A_148 = tpu.memref_slice %arg2[%add3A_78, %dma_start3A_144, %dma_start3A_147] : memref<128x2x65536xf32, #tpu.memory_space<hbm>> -> memref<1x1x4096xf32, #tpu.memory_space<hbm>>
      %dma_start3A_149 = tpu.memref_squeeze %dma_start3A_148 : memref<1x1x4096xf32, #tpu.memory_space<hbm>> -> memref<4096xf32, #tpu.memory_space<hbm>>
      %dma_start3A_150 = arith.constant 24576 : i32
      %dma_start3A_151 = tpu.memref_slice %arg5[%dma_start3A_150] : memref<65536xf32, #tpu.memory_space<vmem>> -> memref<4096xf32, #tpu.memory_space<vmem>>
      %dma_start3A_152 = arith.constant 24576 : i32
      %dma_start3A_153 = tpu.memref_slice %arg2[%add3A_78, %dma_start3A_144, %dma_start3A_152] : memref<128x2x65536xf32, #tpu.memory_space<hbm>> -> memref<1x1x4096xf32, #tpu.memory_space<hbm>>
      %dma_start3A_154 = tpu.memref_squeeze %dma_start3A_153 : memref<1x1x4096xf32, #tpu.memory_space<hbm>> -> memref<4096xf32, #tpu.memory_space<hbm>>
      tpu.enqueue_dma source(%dma_start3A_154 : memref<4096xf32, #tpu.memory_space<hbm>>) target(%dma_start3A_151 : memref<4096xf32, #tpu.memory_space<vmem>>) target_semaphore(%arg10 : memref<!tpu.dma_semaphore, #tpu.memory_space<semaphore_mem>>)
      %dma_start3A_155 = arith.constant 1 : i32
      %dma_start3A_156 = arith.constant 28672 : i32
      %dma_start3A_157 = tpu.memref_slice %arg5[%dma_start3A_156] : memref<65536xf32, #tpu.memory_space<vmem>> -> memref<4096xf32, #tpu.memory_space<vmem>>
      %dma_start3A_158 = arith.constant 28672 : i32
      %dma_start3A_159 = tpu.memref_slice %arg2[%add3A_78, %dma_start3A_155, %dma_start3A_158] : memref<128x2x65536xf32, #tpu.memory_space<hbm>> -> memref<1x1x4096xf32, #tpu.memory_space<hbm>>
      %dma_start3A_160 = tpu.memref_squeeze %dma_start3A_159 : memref<1x1x4096xf32, #tpu.memory_space<hbm>> -> memref<4096xf32, #tpu.memory_space<hbm>>
      %dma_start3A_161 = arith.constant 28672 : i32
      %dma_start3A_162 = tpu.memref_slice %arg5[%dma_start3A_161] : memref<65536xf32, #tpu.memory_space<vmem>> -> memref<4096xf32, #tpu.memory_space<vmem>>
      %dma_start3A_163 = arith.constant 28672 : i32
      %dma_start3A_164 = tpu.memref_slice %arg2[%add3A_78, %dma_start3A_155, %dma_start3A_163] : memref<128x2x65536xf32, #tpu.memory_space<hbm>> -> memref<1x1x4096xf32, #tpu.memory_space<hbm>>
      %dma_start3A_165 = tpu.memref_squeeze %dma_start3A_164 : memref<1x1x4096xf32, #tpu.memory_space<hbm>> -> memref<4096xf32, #tpu.memory_space<hbm>>
      tpu.enqueue_dma source(%dma_start3A_165 : memref<4096xf32, #tpu.memory_space<hbm>>) target(%dma_start3A_162 : memref<4096xf32, #tpu.memory_space<vmem>>) target_semaphore(%arg10 : memref<!tpu.dma_semaphore, #tpu.memory_space<semaphore_mem>>)
      %dma_start3A_166 = arith.constant 1 : i32
      %dma_start3A_167 = arith.constant 32768 : i32
      %dma_start3A_168 = tpu.memref_slice %arg5[%dma_start3A_167] : memref<65536xf32, #tpu.memory_space<vmem>> -> memref<4096xf32, #tpu.memory_space<vmem>>
      %dma_start3A_169 = arith.constant 32768 : i32
      %dma_start3A_170 = tpu.memref_slice %arg2[%add3A_78, %dma_start3A_166, %dma_start3A_169] : memref<128x2x65536xf32, #tpu.memory_space<hbm>> -> memref<1x1x4096xf32, #tpu.memory_space<hbm>>
      %dma_start3A_171 = tpu.memref_squeeze %dma_start3A_170 : memref<1x1x4096xf32, #tpu.memory_space<hbm>> -> memref<4096xf32, #tpu.memory_space<hbm>>
      %dma_start3A_172 = arith.constant 32768 : i32
      %dma_start3A_173 = tpu.memref_slice %arg5[%dma_start3A_172] : memref<65536xf32, #tpu.memory_space<vmem>> -> memref<4096xf32, #tpu.memory_space<vmem>>
      %dma_start3A_174 = arith.constant 32768 : i32
      %dma_start3A_175 = tpu.memref_slice %arg2[%add3A_78, %dma_start3A_166, %dma_start3A_174] : memref<128x2x65536xf32, #tpu.memory_space<hbm>> -> memref<1x1x4096xf32, #tpu.memory_space<hbm>>
      %dma_start3A_176 = tpu.memref_squeeze %dma_start3A_175 : memref<1x1x4096xf32, #tpu.memory_space<hbm>> -> memref<4096xf32, #tpu.memory_space<hbm>>
      tpu.enqueue_dma source(%dma_start3A_176 : memref<4096xf32, #tpu.memory_space<hbm>>) target(%dma_start3A_173 : memref<4096xf32, #tpu.memory_space<vmem>>) target_semaphore(%arg10 : memref<!tpu.dma_semaphore, #tpu.memory_space<semaphore_mem>>)
      %dma_start3A_177 = arith.constant 1 : i32
      %dma_start3A_178 = arith.constant 36864 : i32
      %dma_start3A_179 = tpu.memref_slice %arg5[%dma_start3A_178] : memref<65536xf32, #tpu.memory_space<vmem>> -> memref<4096xf32, #tpu.memory_space<vmem>>
      %dma_start3A_180 = arith.constant 36864 : i32
      %dma_start3A_181 = tpu.memref_slice %arg2[%add3A_78, %dma_start3A_177, %dma_start3A_180] : memref<128x2x65536xf32, #tpu.memory_space<hbm>> -> memref<1x1x4096xf32, #tpu.memory_space<hbm>>
      %dma_start3A_182 = tpu.memref_squeeze %dma_start3A_181 : memref<1x1x4096xf32, #tpu.memory_space<hbm>> -> memref<4096xf32, #tpu.memory_space<hbm>>
      %dma_start3A_183 = arith.constant 36864 : i32
      %dma_start3A_184 = tpu.memref_slice %arg5[%dma_start3A_183] : memref<65536xf32, #tpu.memory_space<vmem>> -> memref<4096xf32, #tpu.memory_space<vmem>>
      %dma_start3A_185 = arith.constant 36864 : i32
      %dma_start3A_186 = tpu.memref_slice %arg2[%add3A_78, %dma_start3A_177, %dma_start3A_185] : memref<128x2x65536xf32, #tpu.memory_space<hbm>> -> memref<1x1x4096xf32, #tpu.memory_space<hbm>>
      %dma_start3A_187 = tpu.memref_squeeze %dma_start3A_186 : memref<1x1x4096xf32, #tpu.memory_space<hbm>> -> memref<4096xf32, #tpu.memory_space<hbm>>
      tpu.enqueue_dma source(%dma_start3A_187 : memref<4096xf32, #tpu.memory_space<hbm>>) target(%dma_start3A_184 : memref<4096xf32, #tpu.memory_space<vmem>>) target_semaphore(%arg10 : memref<!tpu.dma_semaphore, #tpu.memory_space<semaphore_mem>>)
      %dma_start3A_188 = arith.constant 1 : i32
      %dma_start3A_189 = arith.constant 40960 : i32
      %dma_start3A_190 = tpu.memref_slice %arg5[%dma_start3A_189] : memref<65536xf32, #tpu.memory_space<vmem>> -> memref<4096xf32, #tpu.memory_space<vmem>>
      %dma_start3A_191 = arith.constant 40960 : i32
      %dma_start3A_192 = tpu.memref_slice %arg2[%add3A_78, %dma_start3A_188, %dma_start3A_191] : memref<128x2x65536xf32, #tpu.memory_space<hbm>> -> memref<1x1x4096xf32, #tpu.memory_space<hbm>>
      %dma_start3A_193 = tpu.memref_squeeze %dma_start3A_192 : memref<1x1x4096xf32, #tpu.memory_space<hbm>> -> memref<4096xf32, #tpu.memory_space<hbm>>
      %dma_start3A_194 = arith.constant 40960 : i32
      %dma_start3A_195 = tpu.memref_slice %arg5[%dma_start3A_194] : memref<65536xf32, #tpu.memory_space<vmem>> -> memref<4096xf32, #tpu.memory_space<vmem>>
      %dma_start3A_196 = arith.constant 40960 : i32
      %dma_start3A_197 = tpu.memref_slice %arg2[%add3A_78, %dma_start3A_188, %dma_start3A_196] : memref<128x2x65536xf32, #tpu.memory_space<hbm>> -> memref<1x1x4096xf32, #tpu.memory_space<hbm>>
      %dma_start3A_198 = tpu.memref_squeeze %dma_start3A_197 : memref<1x1x4096xf32, #tpu.memory_space<hbm>> -> memref<4096xf32, #tpu.memory_space<hbm>>
      tpu.enqueue_dma source(%dma_start3A_198 : memref<4096xf32, #tpu.memory_space<hbm>>) target(%dma_start3A_195 : memref<4096xf32, #tpu.memory_space<vmem>>) target_semaphore(%arg10 : memref<!tpu.dma_semaphore, #tpu.memory_space<semaphore_mem>>)
      %dma_start3A_199 = arith.constant 1 : i32
      %dma_start3A_200 = arith.constant 45056 : i32
      %dma_start3A_201 = tpu.memref_slice %arg5[%dma_start3A_200] : memref<65536xf32, #tpu.memory_space<vmem>> -> memref<4096xf32, #tpu.memory_space<vmem>>
      %dma_start3A_202 = arith.constant 45056 : i32
      %dma_start3A_203 = tpu.memref_slice %arg2[%add3A_78, %dma_start3A_199, %dma_start3A_202] : memref<128x2x65536xf32, #tpu.memory_space<hbm>> -> memref<1x1x4096xf32, #tpu.memory_space<hbm>>
      %dma_start3A_204 = tpu.memref_squeeze %dma_start3A_203 : memref<1x1x4096xf32, #tpu.memory_space<hbm>> -> memref<4096xf32, #tpu.memory_space<hbm>>
      %dma_start3A_205 = arith.constant 45056 : i32
      %dma_start3A_206 = tpu.memref_slice %arg5[%dma_start3A_205] : memref<65536xf32, #tpu.memory_space<vmem>> -> memref<4096xf32, #tpu.memory_space<vmem>>
      %dma_start3A_207 = arith.constant 45056 : i32
      %dma_start3A_208 = tpu.memref_slice %arg2[%add3A_78, %dma_start3A_199, %dma_start3A_207] : memref<128x2x65536xf32, #tpu.memory_space<hbm>> -> memref<1x1x4096xf32, #tpu.memory_space<hbm>>
      %dma_start3A_209 = tpu.memref_squeeze %dma_start3A_208 : memref<1x1x4096xf32, #tpu.memory_space<hbm>> -> memref<4096xf32, #tpu.memory_space<hbm>>
      tpu.enqueue_dma source(%dma_start3A_209 : memref<4096xf32, #tpu.memory_space<hbm>>) target(%dma_start3A_206 : memref<4096xf32, #tpu.memory_space<vmem>>) target_semaphore(%arg10 : memref<!tpu.dma_semaphore, #tpu.memory_space<semaphore_mem>>)
      %dma_start3A_210 = arith.constant 1 : i32
      %dma_start3A_211 = arith.constant 49152 : i32
      %dma_start3A_212 = tpu.memref_slice %arg5[%dma_start3A_211] : memref<65536xf32, #tpu.memory_space<vmem>> -> memref<4096xf32, #tpu.memory_space<vmem>>
      %dma_start3A_213 = arith.constant 49152 : i32
      %dma_start3A_214 = tpu.memref_slice %arg2[%add3A_78, %dma_start3A_210, %dma_start3A_213] : memref<128x2x65536xf32, #tpu.memory_space<hbm>> -> memref<1x1x4096xf32, #tpu.memory_space<hbm>>
      %dma_start3A_215 = tpu.memref_squeeze %dma_start3A_214 : memref<1x1x4096xf32, #tpu.memory_space<hbm>> -> memref<4096xf32, #tpu.memory_space<hbm>>
      %dma_start3A_216 = arith.constant 49152 : i32
      %dma_start3A_217 = tpu.memref_slice %arg5[%dma_start3A_216] : memref<65536xf32, #tpu.memory_space<vmem>> -> memref<4096xf32, #tpu.memory_space<vmem>>
      %dma_start3A_218 = arith.constant 49152 : i32
      %dma_start3A_219 = tpu.memref_slice %arg2[%add3A_78, %dma_start3A_210, %dma_start3A_218] : memref<128x2x65536xf32, #tpu.memory_space<hbm>> -> memref<1x1x4096xf32, #tpu.memory_space<hbm>>
      %dma_start3A_220 = tpu.memref_squeeze %dma_start3A_219 : memref<1x1x4096xf32, #tpu.memory_space<hbm>> -> memref<4096xf32, #tpu.memory_space<hbm>>
      tpu.enqueue_dma source(%dma_start3A_220 : memref<4096xf32, #tpu.memory_space<hbm>>) target(%dma_start3A_217 : memref<4096xf32, #tpu.memory_space<vmem>>) target_semaphore(%arg10 : memref<!tpu.dma_semaphore, #tpu.memory_space<semaphore_mem>>)
      %dma_start3A_221 = arith.constant 1 : i32
      %dma_start3A_222 = arith.constant 53248 : i32
      %dma_start3A_223 = tpu.memref_slice %arg5[%dma_start3A_222] : memref<65536xf32, #tpu.memory_space<vmem>> -> memref<4096xf32, #tpu.memory_space<vmem>>
      %dma_start3A_224 = arith.constant 53248 : i32
      %dma_start3A_225 = tpu.memref_slice %arg2[%add3A_78, %dma_start3A_221, %dma_start3A_224] : memref<128x2x65536xf32, #tpu.memory_space<hbm>> -> memref<1x1x4096xf32, #tpu.memory_space<hbm>>
      %dma_start3A_226 = tpu.memref_squeeze %dma_start3A_225 : memref<1x1x4096xf32, #tpu.memory_space<hbm>> -> memref<4096xf32, #tpu.memory_space<hbm>>
      %dma_start3A_227 = arith.constant 53248 : i32
      %dma_start3A_228 = tpu.memref_slice %arg5[%dma_start3A_227] : memref<65536xf32, #tpu.memory_space<vmem>> -> memref<4096xf32, #tpu.memory_space<vmem>>
      %dma_start3A_229 = arith.constant 53248 : i32
      %dma_start3A_230 = tpu.memref_slice %arg2[%add3A_78, %dma_start3A_221, %dma_start3A_229] : memref<128x2x65536xf32, #tpu.memory_space<hbm>> -> memref<1x1x4096xf32, #tpu.memory_space<hbm>>
      %dma_start3A_231 = tpu.memref_squeeze %dma_start3A_230 : memref<1x1x4096xf32, #tpu.memory_space<hbm>> -> memref<4096xf32, #tpu.memory_space<hbm>>
      tpu.enqueue_dma source(%dma_start3A_231 : memref<4096xf32, #tpu.memory_space<hbm>>) target(%dma_start3A_228 : memref<4096xf32, #tpu.memory_space<vmem>>) target_semaphore(%arg10 : memref<!tpu.dma_semaphore, #tpu.memory_space<semaphore_mem>>)
      %dma_start3A_232 = arith.constant 1 : i32
      %dma_start3A_233 = arith.constant 57344 : i32
      %dma_start3A_234 = tpu.memref_slice %arg5[%dma_start3A_233] : memref<65536xf32, #tpu.memory_space<vmem>> -> memref<4096xf32, #tpu.memory_space<vmem>>
      %dma_start3A_235 = arith.constant 57344 : i32
      %dma_start3A_236 = tpu.memref_slice %arg2[%add3A_78, %dma_start3A_232, %dma_start3A_235] : memref<128x2x65536xf32, #tpu.memory_space<hbm>> -> memref<1x1x4096xf32, #tpu.memory_space<hbm>>
      %dma_start3A_237 = tpu.memref_squeeze %dma_start3A_236 : memref<1x1x4096xf32, #tpu.memory_space<hbm>> -> memref<4096xf32, #tpu.memory_space<hbm>>
      %dma_start3A_238 = arith.constant 57344 : i32
      %dma_start3A_239 = tpu.memref_slice %arg5[%dma_start3A_238] : memref<65536xf32, #tpu.memory_space<vmem>> -> memref<4096xf32, #tpu.memory_space<vmem>>
      %dma_start3A_240 = arith.constant 57344 : i32
      %dma_start3A_241 = tpu.memref_slice %arg2[%add3A_78, %dma_start3A_232, %dma_start3A_240] : memref<128x2x65536xf32, #tpu.memory_space<hbm>> -> memref<1x1x4096xf32, #tpu.memory_space<hbm>>
      %dma_start3A_242 = tpu.memref_squeeze %dma_start3A_241 : memref<1x1x4096xf32, #tpu.memory_space<hbm>> -> memref<4096xf32, #tpu.memory_space<hbm>>
      tpu.enqueue_dma source(%dma_start3A_242 : memref<4096xf32, #tpu.memory_space<hbm>>) target(%dma_start3A_239 : memref<4096xf32, #tpu.memory_space<vmem>>) target_semaphore(%arg10 : memref<!tpu.dma_semaphore, #tpu.memory_space<semaphore_mem>>)
      %dma_start3A_243 = arith.constant 1 : i32
      %dma_start3A_244 = arith.constant 61440 : i32
      %dma_start3A_245 = tpu.memref_slice %arg5[%dma_start3A_244] : memref<65536xf32, #tpu.memory_space<vmem>> -> memref<4096xf32, #tpu.memory_space<vmem>>
      %dma_start3A_246 = arith.constant 61440 : i32
      %dma_start3A_247 = tpu.memref_slice %arg2[%add3A_78, %dma_start3A_243, %dma_start3A_246] : memref<128x2x65536xf32, #tpu.memory_space<hbm>> -> memref<1x1x4096xf32, #tpu.memory_space<hbm>>
      %dma_start3A_248 = tpu.memref_squeeze %dma_start3A_247 : memref<1x1x4096xf32, #tpu.memory_space<hbm>> -> memref<4096xf32, #tpu.memory_space<hbm>>
      %dma_start3A_249 = arith.constant 61440 : i32
      %dma_start3A_250 = tpu.memref_slice %arg5[%dma_start3A_249] : memref<65536xf32, #tpu.memory_space<vmem>> -> memref<4096xf32, #tpu.memory_space<vmem>>
      %dma_start3A_251 = arith.constant 61440 : i32
      %dma_start3A_252 = tpu.memref_slice %arg2[%add3A_78, %dma_start3A_243, %dma_start3A_251] : memref<128x2x65536xf32, #tpu.memory_space<hbm>> -> memref<1x1x4096xf32, #tpu.memory_space<hbm>>
      %dma_start3A_253 = tpu.memref_squeeze %dma_start3A_252 : memref<1x1x4096xf32, #tpu.memory_space<hbm>> -> memref<4096xf32, #tpu.memory_space<hbm>>
      tpu.enqueue_dma source(%dma_start3A_253 : memref<4096xf32, #tpu.memory_space<hbm>>) target(%dma_start3A_250 : memref<4096xf32, #tpu.memory_space<vmem>>) target_semaphore(%arg10 : memref<!tpu.dma_semaphore, #tpu.memory_space<semaphore_mem>>)
      %scan3A_254 = arith.constant 0 : i32
      %scan3A_255 = arith.constant 0 : i32
      %scan3A_256 = arith.constant 16 : i32
      %scan3A_257 = arith.addi %scan3A_255, %scan3A_256 : i32
      %scan3A_258 = arith.constant 1 : i32
      %scan3A_259 = scf.for %scan3A_274 = %scan3A_255 to %scan3A_257 step %scan3A_258 iter_args(%scan3A_275 = %scan3A_254) -> (i32)  : i32 {
        %dma_wait3A = arith.constant 0 : i32
        %dma_wait3A_276 = arith.constant 1 : i32
        %dma_wait3A_277 = arith.constant 0 : i32
        %dma_wait3A_278 = tpu.memref_slice %arg5[%dma_wait3A_277] : memref<65536xf32, #tpu.memory_space<vmem>> -> memref<4096xf32, #tpu.memory_space<vmem>>
        %dma_wait3A_279 = arith.constant 0 : i32
        %dma_wait3A_280 = tpu.memref_slice %arg2[%dma_wait3A, %dma_wait3A_276, %dma_wait3A_279] : memref<128x2x65536xf32, #tpu.memory_space<hbm>> -> memref<1x1x4096xf32, #tpu.memory_space<hbm>>
        %dma_wait3A_281 = tpu.memref_squeeze %dma_wait3A_280 : memref<1x1x4096xf32, #tpu.memory_space<hbm>> -> memref<4096xf32, #tpu.memory_space<hbm>>
        %dma_wait3A_282 = arith.constant 0 : i32
        %dma_wait3A_283 = tpu.memref_slice %arg5[%dma_wait3A_282] : memref<65536xf32, #tpu.memory_space<vmem>> -> memref<4096xf32, #tpu.memory_space<vmem>>
        %dma_wait3A_284 = arith.constant 0 : i32
        %dma_wait3A_285 = tpu.memref_slice %arg2[%dma_wait3A, %dma_wait3A_276, %dma_wait3A_284] : memref<128x2x65536xf32, #tpu.memory_space<hbm>> -> memref<1x1x4096xf32, #tpu.memory_space<hbm>>
        %dma_wait3A_286 = tpu.memref_squeeze %dma_wait3A_285 : memref<1x1x4096xf32, #tpu.memory_space<hbm>> -> memref<4096xf32, #tpu.memory_space<hbm>>
        tpu.wait_dma2 semaphore(%arg10 : memref<!tpu.dma_semaphore, #tpu.memory_space<semaphore_mem>>) src(%dma_wait3A_286 : memref<4096xf32, #tpu.memory_space<hbm>>) dst(%dma_wait3A_283 : memref<4096xf32, #tpu.memory_space<vmem>>)
        %mul3A_287 = arith.constant 16 : i32
        %mul3A_288 = arith.muli %scan3A_274, %mul3A_287 : i32
        %add3A_289 = arith.constant 1 : i32
        %add3A_290 = arith.addi %scan3A_274, %add3A_289 : i32
        %mul3A_291 = arith.constant 16 : i32
        %mul3A_292 = arith.muli %add3A_290, %mul3A_291 : i32
        %broadcast_in_dim3A_293 = arith.constant 0xFF800000 : f32
        %broadcast_in_dim3A_294 = vector.broadcast %broadcast_in_dim3A_293 : f32 to vector<16xf32>
        %parallel_loop3A = arith.constant 1 : i32
        %parallel_loop3A_295 = scf.for %parallel_loop3A_300 = %mul3A_288 to %mul3A_292 step %parallel_loop3A iter_args(%parallel_loop3A_301 = %broadcast_in_dim3A_294) -> (vector<16xf32>)  : i32 {
          %parallel_loop3A_302 = arith.constant 256 : i32
          %parallel_loop3A_303 = arith.muli %parallel_loop3A_300, %parallel_loop3A_302 : i32
          %parallel_loop3A_304 = arith.constant 0 : i32
          %parallel_loop3A_305 = arith.addi %parallel_loop3A_303, %parallel_loop3A_304 : i32
          %parallel_loop3A_306 = arith.index_cast %parallel_loop3A_305 : i32 to index
          %parallel_loop3A_307 = tpu.vector_load %arg5[%parallel_loop3A_306] {strides = array<i32>} : memref<65536xf32, #tpu.memory_space<vmem>>, vector<16xf32>,
          %parallel_loop3A_308 = arith.constant 16 : i32
          %parallel_loop3A_309 = arith.addi %parallel_loop3A_303, %parallel_loop3A_308 : i32
          %parallel_loop3A_310 = arith.index_cast %parallel_loop3A_309 : i32 to index
          %parallel_loop3A_311 = tpu.vector_load %arg5[%parallel_loop3A_310] {strides = array<i32>} : memref<65536xf32, #tpu.memory_space<vmem>>, vector<16xf32>,
          %parallel_loop3A_312 = arith.constant 32 : i32
          %parallel_loop3A_313 = arith.addi %parallel_loop3A_303, %parallel_loop3A_312 : i32
          %parallel_loop3A_314 = arith.index_cast %parallel_loop3A_313 : i32 to index
          %parallel_loop3A_315 = tpu.vector_load %arg5[%parallel_loop3A_314] {strides = array<i32>} : memref<65536xf32, #tpu.memory_space<vmem>>, vector<16xf32>,
          %parallel_loop3A_316 = arith.constant 48 : i32
          %parallel_loop3A_317 = arith.addi %parallel_loop3A_303, %parallel_loop3A_316 : i32
          %parallel_loop3A_318 = arith.index_cast %parallel_loop3A_317 : i32 to index
          %parallel_loop3A_319 = tpu.vector_load %arg5[%parallel_loop3A_318] {strides = array<i32>} : memref<65536xf32, #tpu.memory_space<vmem>>, vector<16xf32>,
          %parallel_loop3A_320 = arith.constant 64 : i32
          %parallel_loop3A_321 = arith.addi %parallel_loop3A_303, %parallel_loop3A_320 : i32
          %parallel_loop3A_322 = arith.index_cast %parallel_loop3A_321 : i32 to index
          %parallel_loop3A_323 = tpu.vector_load %arg5[%parallel_loop3A_322] {strides = array<i32>} : memref<65536xf32, #tpu.memory_space<vmem>>, vector<16xf32>,
          %parallel_loop3A_324 = arith.constant 80 : i32
          %parallel_loop3A_325 = arith.addi %parallel_loop3A_303, %parallel_loop3A_324 : i32
          %parallel_loop3A_326 = arith.index_cast %parallel_loop3A_325 : i32 to index
          %parallel_loop3A_327 = tpu.vector_load %arg5[%parallel_loop3A_326] {strides = array<i32>} : memref<65536xf32, #tpu.memory_space<vmem>>, vector<16xf32>,
          %parallel_loop3A_328 = arith.constant 96 : i32
          %parallel_loop3A_329 = arith.addi %parallel_loop3A_303, %parallel_loop3A_328 : i32
          %parallel_loop3A_330 = arith.index_cast %parallel_loop3A_329 : i32 to index
          %parallel_loop3A_331 = tpu.vector_load %arg5[%parallel_loop3A_330] {strides = array<i32>} : memref<65536xf32, #tpu.memory_space<vmem>>, vector<16xf32>,
          %parallel_loop3A_332 = arith.constant 112 : i32
          %parallel_loop3A_333 = arith.addi %parallel_loop3A_303, %parallel_loop3A_332 : i32
          %parallel_loop3A_334 = arith.index_cast %parallel_loop3A_333 : i32 to index
          %parallel_loop3A_335 = tpu.vector_load %arg5[%parallel_loop3A_334] {strides = array<i32>} : memref<65536xf32, #tpu.memory_space<vmem>>, vector<16xf32>,
          %parallel_loop3A_336 = arith.constant 128 : i32
          %parallel_loop3A_337 = arith.addi %parallel_loop3A_303, %parallel_loop3A_336 : i32
          %parallel_loop3A_338 = arith.index_cast %parallel_loop3A_337 : i32 to index
          %parallel_loop3A_339 = tpu.vector_load %arg5[%parallel_loop3A_338] {strides = array<i32>} : memref<65536xf32, #tpu.memory_space<vmem>>, vector<16xf32>,
          %parallel_loop3A_340 = arith.constant 144 : i32
          %parallel_loop3A_341 = arith.addi %parallel_loop3A_303, %parallel_loop3A_340 : i32
          %parallel_loop3A_342 = arith.index_cast %parallel_loop3A_341 : i32 to index
          %parallel_loop3A_343 = tpu.vector_load %arg5[%parallel_loop3A_342] {strides = array<i32>} : memref<65536xf32, #tpu.memory_space<vmem>>, vector<16xf32>,
          %parallel_loop3A_344 = arith.constant 160 : i32
          %parallel_loop3A_345 = arith.addi %parallel_loop3A_303, %parallel_loop3A_344 : i32
          %parallel_loop3A_346 = arith.index_cast %parallel_loop3A_345 : i32 to index
          %parallel_loop3A_347 = tpu.vector_load %arg5[%parallel_loop3A_346] {strides = array<i32>} : memref<65536xf32, #tpu.memory_space<vmem>>, vector<16xf32>,
          %parallel_loop3A_348 = arith.constant 176 : i32
          %parallel_loop3A_349 = arith.addi %parallel_loop3A_303, %parallel_loop3A_348 : i32
          %parallel_loop3A_350 = arith.index_cast %parallel_loop3A_349 : i32 to index
          %parallel_loop3A_351 = tpu.vector_load %arg5[%parallel_loop3A_350] {strides = array<i32>} : memref<65536xf32, #tpu.memory_space<vmem>>, vector<16xf32>,
          %parallel_loop3A_352 = arith.constant 192 : i32
          %parallel_loop3A_353 = arith.addi %parallel_loop3A_303, %parallel_loop3A_352 : i32
          %parallel_loop3A_354 = arith.index_cast %parallel_loop3A_353 : i32 to index
          %parallel_loop3A_355 = tpu.vector_load %arg5[%parallel_loop3A_354] {strides = array<i32>} : memref<65536xf32, #tpu.memory_space<vmem>>, vector<16xf32>,
          %parallel_loop3A_356 = arith.constant 208 : i32
          %parallel_loop3A_357 = arith.addi %parallel_loop3A_303, %parallel_loop3A_356 : i32
          %parallel_loop3A_358 = arith.index_cast %parallel_loop3A_357 : i32 to index
          %parallel_loop3A_359 = tpu.vector_load %arg5[%parallel_loop3A_358] {strides = array<i32>} : memref<65536xf32, #tpu.memory_space<vmem>>, vector<16xf32>,
          %parallel_loop3A_360 = arith.constant 224 : i32
          %parallel_loop3A_361 = arith.addi %parallel_loop3A_303, %parallel_loop3A_360 : i32
          %parallel_loop3A_362 = arith.index_cast %parallel_loop3A_361 : i32 to index
          %parallel_loop3A_363 = tpu.vector_load %arg5[%parallel_loop3A_362] {strides = array<i32>} : memref<65536xf32, #tpu.memory_space<vmem>>, vector<16xf32>,
          %parallel_loop3A_364 = arith.constant 240 : i32
          %parallel_loop3A_365 = arith.addi %parallel_loop3A_303, %parallel_loop3A_364 : i32
          %parallel_loop3A_366 = arith.index_cast %parallel_loop3A_365 : i32 to index
          %parallel_loop3A_367 = tpu.vector_load %arg5[%parallel_loop3A_366] {strides = array<i32>} : memref<65536xf32, #tpu.memory_space<vmem>>, vector<16xf32>,
          %parallel_loop3A_368 = arith.maximumf %parallel_loop3A_307, %parallel_loop3A_311 : vector<16xf32>
          %parallel_loop3A_369 = arith.maximumf %parallel_loop3A_315, %parallel_loop3A_319 : vector<16xf32>
          %parallel_loop3A_370 = arith.maximumf %parallel_loop3A_323, %parallel_loop3A_327 : vector<16xf32>
          %parallel_loop3A_371 = arith.maximumf %parallel_loop3A_331, %parallel_loop3A_335 : vector<16xf32>
          %parallel_loop3A_372 = arith.maximumf %parallel_loop3A_339, %parallel_loop3A_343 : vector<16xf32>
          %parallel_loop3A_373 = arith.maximumf %parallel_loop3A_347, %parallel_loop3A_351 : vector<16xf32>
          %parallel_loop3A_374 = arith.maximumf %parallel_loop3A_355, %parallel_loop3A_359 : vector<16xf32>
          %parallel_loop3A_375 = arith.maximumf %parallel_loop3A_363, %parallel_loop3A_367 : vector<16xf32>
          %parallel_loop3A_376 = arith.maximumf %parallel_loop3A_368, %parallel_loop3A_369 : vector<16xf32>
          %parallel_loop3A_377 = arith.maximumf %parallel_loop3A_370, %parallel_loop3A_371 : vector<16xf32>
          %parallel_loop3A_378 = arith.maximumf %parallel_loop3A_372, %parallel_loop3A_373 : vector<16xf32>
          %parallel_loop3A_379 = arith.maximumf %parallel_loop3A_374, %parallel_loop3A_375 : vector<16xf32>
          %parallel_loop3A_380 = arith.maximumf %parallel_loop3A_376, %parallel_loop3A_377 : vector<16xf32>
          %parallel_loop3A_381 = arith.maximumf %parallel_loop3A_378, %parallel_loop3A_379 : vector<16xf32>
          %parallel_loop3A_382 = arith.maximumf %parallel_loop3A_380, %parallel_loop3A_381 : vector<16xf32>
          %parallel_loop3A_383 = arith.constant 16 : i32
          %parallel_loop3A_384 = arith.muli %parallel_loop3A_300, %parallel_loop3A_383 : i32
          %parallel_loop3A_385 = arith.index_cast %parallel_loop3A_384 : i32 to index
          %parallel_loop3A_386 = tpu.vector_load %arg6[%parallel_loop3A_385] {strides = array<i32>} : memref<4096xf32, #tpu.memory_space<vmem>>, vector<16xf32>,
          tpu.vector_store %arg6[%parallel_loop3A_385], %parallel_loop3A_382 {strides = array<i32>} : memref<4096xf32, #tpu.memory_space<vmem>>, vector<16xf32>,
          %parallel_loop3A_387 = arith.maximumf %parallel_loop3A_301, %parallel_loop3A_382 : vector<16xf32>
          scf.yield %parallel_loop3A_387 : vector<16xf32>
        } {sc.loop_unroll_factor = 2 : i64, sc.parallel_access}
        %mul3A_296 = arith.constant 16 : i32
        %mul3A_297 = arith.muli %scan3A_274, %mul3A_296 : i32
        %swap3A = arith.index_cast %mul3A_297 : i32 to index
        %swap3A_298 = tpu.vector_load %arg7[%swap3A] {strides = array<i32>} : memref<256xf32, #tpu.memory_space<vmem>>, vector<16xf32>,
        tpu.vector_store %arg7[%swap3A], %parallel_loop3A_295 {strides = array<i32>} : memref<256xf32, #tpu.memory_space<vmem>>, vector<16xf32>,
        %scan3A_299 = arith.constant 0 : i32
        scf.yield %scan3A_299 : i32
      }
      %scan3A_260 = arith.constant 16 : i32
      %broadcast_in_dim3A_261 = arith.constant 0 : i32
      %broadcast_in_dim3A_262 = vector.broadcast %broadcast_in_dim3A_261 : i32 to vector<16xi32>
      %scan3A_263 = arith.constant 0 : i32
      %scan3A_264 = arith.constant 5 : i32
      %scan3A_265 = arith.addi %scan3A_263, %scan3A_264 : i32
      %scan3A_266 = arith.constant 1 : i32
      %scan3A_267 = scf.for %scan3A_274 = %scan3A_263 to %scan3A_265 step %scan3A_266 iter_args(%scan3A_275 = %broadcast_in_dim3A_262) -> (vector<16xi32>)  : i32 {
        %broadcast_in_dim3A_276 = arith.constant 0xFF800000 : f32
        %broadcast_in_dim3A_277 = vector.broadcast %broadcast_in_dim3A_276 : f32 to vector<16xf32>
        %broadcast_in_dim3A_278 = arith.constant 0 : i32
        %broadcast_in_dim3A_279 = vector.broadcast %broadcast_in_dim3A_278 : i32 to vector<16xi32>
        %get3A_280 = arith.constant 0 : index
        %get3A_281 = tpu.vector_load %arg7[%get3A_280] {strides = array<i32>} : memref<256xf32, #tpu.memory_space<vmem>>, vector<16xf32>,
        %gt3A = arith.cmpf ogt, %get3A_281, %broadcast_in_dim3A_277 : vector<16xf32>
        %select_n3A_282 = arith.select %gt3A, %get3A_281, %broadcast_in_dim3A_277 : vector<16xi1>, vector<16xf32>
        %jit3A_283 = arith.constant 0 : i32
        %broadcast_in_dim3A_284 = vector.broadcast %jit3A_283 : i32 to vector<16xi32>
        %select_n3A_285 = arith.select %gt3A, %broadcast_in_dim3A_284, %broadcast_in_dim3A_279 : vector<16xi1>, vector<16xi32>
        %get3A_286 = arith.constant 16 : index
        %get3A_287 = tpu.vector_load %arg7[%get3A_286] {strides = array<i32>} : memref<256xf32, #tpu.memory_space<vmem>>, vector<16xf32>,
        %gt3A_288 = arith.cmpf ogt, %get3A_287, %select_n3A_282 : vector<16xf32>
        %select_n3A_289 = arith.select %gt3A_288, %get3A_287, %select_n3A_282 : vector<16xi1>, vector<16xf32>
        %jit3A_290 = arith.constant 1 : i32
        %broadcast_in_dim3A_291 = vector.broadcast %jit3A_290 : i32 to vector<16xi32>
        %select_n3A_292 = arith.select %gt3A_288, %broadcast_in_dim3A_291, %select_n3A_285 : vector<16xi1>, vector<16xi32>
        %get3A_293 = arith.constant 32 : index
        %get3A_294 = tpu.vector_load %arg7[%get3A_293] {strides = array<i32>} : memref<256xf32, #tpu.memory_space<vmem>>, vector<16xf32>,
        %gt3A_295 = arith.cmpf ogt, %get3A_294, %select_n3A_289 : vector<16xf32>
        %select_n3A_296 = arith.select %gt3A_295, %get3A_294, %select_n3A_289 : vector<16xi1>, vector<16xf32>
        %jit3A_297 = arith.constant 2 : i32
        %broadcast_in_dim3A_298 = vector.broadcast %jit3A_297 : i32 to vector<16xi32>
        %select_n3A_299 = arith.select %gt3A_295, %broadcast_in_dim3A_298, %select_n3A_292 : vector<16xi1>, vector<16xi32>
        %get3A_300 = arith.constant 48 : index
        %get3A_301 = tpu.vector_load %arg7[%get3A_300] {strides = array<i32>} : memref<256xf32, #tpu.memory_space<vmem>>, vector<16xf32>,
        %gt3A_302 = arith.cmpf ogt, %get3A_301, %select_n3A_296 : vector<16xf32>
        %select_n3A_303 = arith.select %gt3A_302, %get3A_301, %select_n3A_296 : vector<16xi1>, vector<16xf32>
        %jit3A_304 = arith.constant 3 : i32
        %broadcast_in_dim3A_305 = vector.broadcast %jit3A_304 : i32 to vector<16xi32>
        %select_n3A_306 = arith.select %gt3A_302, %broadcast_in_dim3A_305, %select_n3A_299 : vector<16xi1>, vector<16xi32>
        %get3A_307 = arith.constant 64 : index
        %get3A_308 = tpu.vector_load %arg7[%get3A_307] {strides = array<i32>} : memref<256xf32, #tpu.memory_space<vmem>>, vector<16xf32>,
        %gt3A_309 = arith.cmpf ogt, %get3A_308, %select_n3A_303 : vector<16xf32>
        %select_n3A_310 = arith.select %gt3A_309, %get3A_308, %select_n3A_303 : vector<16xi1>, vector<16xf32>
        %jit3A_311 = arith.constant 4 : i32
        %broadcast_in_dim3A_312 = vector.broadcast %jit3A_311 : i32 to vector<16xi32>
        %select_n3A_313 = arith.select %gt3A_309, %broadcast_in_dim3A_312, %select_n3A_306 : vector<16xi1>, vector<16xi32>
        %get3A_314 = arith.constant 80 : index
        %get3A_315 = tpu.vector_load %arg7[%get3A_314] {strides = array<i32>} : memref<256xf32, #tpu.memory_space<vmem>>, vector<16xf32>,
        %gt3A_316 = arith.cmpf ogt, %get3A_315, %select_n3A_310 : vector<16xf32>
        %select_n3A_317 = arith.select %gt3A_316, %get3A_315, %select_n3A_310 : vector<16xi1>, vector<16xf32>
        %jit3A_318 = arith.constant 5 : i32
        %broadcast_in_dim3A_319 = vector.broadcast %jit3A_318 : i32 to vector<16xi32>
        %select_n3A_320 = arith.select %gt3A_316, %broadcast_in_dim3A_319, %select_n3A_313 : vector<16xi1>, vector<16xi32>
        %get3A_321 = arith.constant 96 : index
        %get3A_322 = tpu.vector_load %arg7[%get3A_321] {strides = array<i32>} : memref<256xf32, #tpu.memory_space<vmem>>, vector<16xf32>,
        %gt3A_323 = arith.cmpf ogt, %get3A_322, %select_n3A_317 : vector<16xf32>
        %select_n3A_324 = arith.select %gt3A_323, %get3A_322, %select_n3A_317 : vector<16xi1>, vector<16xf32>
        %jit3A_325 = arith.constant 6 : i32
        %broadcast_in_dim3A_326 = vector.broadcast %jit3A_325 : i32 to vector<16xi32>
        %select_n3A_327 = arith.select %gt3A_323, %broadcast_in_dim3A_326, %select_n3A_320 : vector<16xi1>, vector<16xi32>
        %get3A_328 = arith.constant 112 : index
        %get3A_329 = tpu.vector_load %arg7[%get3A_328] {strides = array<i32>} : memref<256xf32, #tpu.memory_space<vmem>>, vector<16xf32>,
        %gt3A_330 = arith.cmpf ogt, %get3A_329, %select_n3A_324 : vector<16xf32>
        %select_n3A_331 = arith.select %gt3A_330, %get3A_329, %select_n3A_324 : vector<16xi1>, vector<16xf32>
        %jit3A_332 = arith.constant 7 : i32
        %broadcast_in_dim3A_333 = vector.broadcast %jit3A_332 : i32 to vector<16xi32>
        %select_n3A_334 = arith.select %gt3A_330, %broadcast_in_dim3A_333, %select_n3A_327 : vector<16xi1>, vector<16xi32>
        %get3A_335 = arith.constant 128 : index
        %get3A_336 = tpu.vector_load %arg7[%get3A_335] {strides = array<i32>} : memref<256xf32, #tpu.memory_space<vmem>>, vector<16xf32>,
        %gt3A_337 = arith.cmpf ogt, %get3A_336, %select_n3A_331 : vector<16xf32>
        %select_n3A_338 = arith.select %gt3A_337, %get3A_336, %select_n3A_331 : vector<16xi1>, vector<16xf32>
        %jit3A_339 = arith.constant 8 : i32
        %broadcast_in_dim3A_340 = vector.broadcast %jit3A_339 : i32 to vector<16xi32>
        %select_n3A_341 = arith.select %gt3A_337, %broadcast_in_dim3A_340, %select_n3A_334 : vector<16xi1>, vector<16xi32>
        %get3A_342 = arith.constant 144 : index
        %get3A_343 = tpu.vector_load %arg7[%get3A_342] {strides = array<i32>} : memref<256xf32, #tpu.memory_space<vmem>>, vector<16xf32>,
        %gt3A_344 = arith.cmpf ogt, %get3A_343, %select_n3A_338 : vector<16xf32>
        %select_n3A_345 = arith.select %gt3A_344, %get3A_343, %select_n3A_338 : vector<16xi1>, vector<16xf32>
        %jit3A_346 = arith.constant 9 : i32
        %broadcast_in_dim3A_347 = vector.broadcast %jit3A_346 : i32 to vector<16xi32>
        %select_n3A_348 = arith.select %gt3A_344, %broadcast_in_dim3A_347, %select_n3A_341 : vector<16xi1>, vector<16xi32>
        %get3A_349 = arith.constant 160 : index
        %get3A_350 = tpu.vector_load %arg7[%get3A_349] {strides = array<i32>} : memref<256xf32, #tpu.memory_space<vmem>>, vector<16xf32>,
        %gt3A_351 = arith.cmpf ogt, %get3A_350, %select_n3A_345 : vector<16xf32>
        %select_n3A_352 = arith.select %gt3A_351, %get3A_350, %select_n3A_345 : vector<16xi1>, vector<16xf32>
        %jit3A_353 = arith.constant 10 : i32
        %broadcast_in_dim3A_354 = vector.broadcast %jit3A_353 : i32 to vector<16xi32>
        %select_n3A_355 = arith.select %gt3A_351, %broadcast_in_dim3A_354, %select_n3A_348 : vector<16xi1>, vector<16xi32>
        %get3A_356 = arith.constant 176 : index
        %get3A_357 = tpu.vector_load %arg7[%get3A_356] {strides = array<i32>} : memref<256xf32, #tpu.memory_space<vmem>>, vector<16xf32>,
        %gt3A_358 = arith.cmpf ogt, %get3A_357, %select_n3A_352 : vector<16xf32>
        %select_n3A_359 = arith.select %gt3A_358, %get3A_357, %select_n3A_352 : vector<16xi1>, vector<16xf32>
        %jit3A_360 = arith.constant 11 : i32
        %broadcast_in_dim3A_361 = vector.broadcast %jit3A_360 : i32 to vector<16xi32>
        %select_n3A_362 = arith.select %gt3A_358, %broadcast_in_dim3A_361, %select_n3A_355 : vector<16xi1>, vector<16xi32>
        %get3A_363 = arith.constant 192 : index
        %get3A_364 = tpu.vector_load %arg7[%get3A_363] {strides = array<i32>} : memref<256xf32, #tpu.memory_space<vmem>>, vector<16xf32>,
        %gt3A_365 = arith.cmpf ogt, %get3A_364, %select_n3A_359 : vector<16xf32>
        %select_n3A_366 = arith.select %gt3A_365, %get3A_364, %select_n3A_359 : vector<16xi1>, vector<16xf32>
        %jit3A_367 = arith.constant 12 : i32
        %broadcast_in_dim3A_368 = vector.broadcast %jit3A_367 : i32 to vector<16xi32>
        %select_n3A_369 = arith.select %gt3A_365, %broadcast_in_dim3A_368, %select_n3A_362 : vector<16xi1>, vector<16xi32>
        %get3A_370 = arith.constant 208 : index
        %get3A_371 = tpu.vector_load %arg7[%get3A_370] {strides = array<i32>} : memref<256xf32, #tpu.memory_space<vmem>>, vector<16xf32>,
        %gt3A_372 = arith.cmpf ogt, %get3A_371, %select_n3A_366 : vector<16xf32>
        %select_n3A_373 = arith.select %gt3A_372, %get3A_371, %select_n3A_366 : vector<16xi1>, vector<16xf32>
        %jit3A_374 = arith.constant 13 : i32
        %broadcast_in_dim3A_375 = vector.broadcast %jit3A_374 : i32 to vector<16xi32>
        %select_n3A_376 = arith.select %gt3A_372, %broadcast_in_dim3A_375, %select_n3A_369 : vector<16xi1>, vector<16xi32>
        %get3A_377 = arith.constant 224 : index
        %get3A_378 = tpu.vector_load %arg7[%get3A_377] {strides = array<i32>} : memref<256xf32, #tpu.memory_space<vmem>>, vector<16xf32>,
        %gt3A_379 = arith.cmpf ogt, %get3A_378, %select_n3A_373 : vector<16xf32>
        %select_n3A_380 = arith.select %gt3A_379, %get3A_378, %select_n3A_373 : vector<16xi1>, vector<16xf32>
        %jit3A_381 = arith.constant 14 : i32
        %broadcast_in_dim3A_382 = vector.broadcast %jit3A_381 : i32 to vector<16xi32>
        %select_n3A_383 = arith.select %gt3A_379, %broadcast_in_dim3A_382, %select_n3A_376 : vector<16xi1>, vector<16xi32>
        %get3A_384 = arith.constant 240 : index
        %get3A_385 = tpu.vector_load %arg7[%get3A_384] {strides = array<i32>} : memref<256xf32, #tpu.memory_space<vmem>>, vector<16xf32>,
        %gt3A_386 = arith.cmpf ogt, %get3A_385, %select_n3A_380 : vector<16xf32>
        %select_n3A_387 = arith.select %gt3A_386, %get3A_385, %select_n3A_380 : vector<16xi1>, vector<16xf32>
        %jit3A_388 = arith.constant 15 : i32
        %broadcast_in_dim3A_389 = vector.broadcast %jit3A_388 : i32 to vector<16xi32>
        %select_n3A_390 = arith.select %gt3A_386, %broadcast_in_dim3A_389, %select_n3A_383 : vector<16xi1>, vector<16xi32>
        %xor3A_391 = arith.constant 1 : i32
        %xor3A_392 = vector.broadcast %xor3A_391 : i32 to vector<16xi32>
        %xor3A_393 = arith.xori %iota3A, %xor3A_392 : vector<16xi32>
        %broadcast_in_dim3A_394 = vector.shape_cast %xor3A_393 : vector<16xi32> to vector<16x1xi32>
        %gather3A_395 = vector.shape_cast %broadcast_in_dim3A_394 : vector<16x1xi32> to vector<16xi32>
        %gather3A_396 = tpu.dynamic_gather %select_n3A_387[%gather3A_395] in [0] : vector<16xf32>, vector<16xi32> -> vector<16xf32>
        %max3A_397 = arith.maximumf %select_n3A_387, %gather3A_396 : vector<16xf32>
        %xor3A_398 = arith.constant 2 : i32
        %xor3A_399 = vector.broadcast %xor3A_398 : i32 to vector<16xi32>
        %xor3A_400 = arith.xori %iota3A, %xor3A_399 : vector<16xi32>
        %broadcast_in_dim3A_401 = vector.shape_cast %xor3A_400 : vector<16xi32> to vector<16x1xi32>
        %gather3A_402 = vector.shape_cast %broadcast_in_dim3A_401 : vector<16x1xi32> to vector<16xi32>
        %gather3A_403 = tpu.dynamic_gather %max3A_397[%gather3A_402] in [0] : vector<16xf32>, vector<16xi32> -> vector<16xf32>
        %max3A_404 = arith.maximumf %max3A_397, %gather3A_403 : vector<16xf32>
        %xor3A_405 = arith.constant 4 : i32
        %xor3A_406 = vector.broadcast %xor3A_405 : i32 to vector<16xi32>
        %xor3A_407 = arith.xori %iota3A, %xor3A_406 : vector<16xi32>
        %broadcast_in_dim3A_408 = vector.shape_cast %xor3A_407 : vector<16xi32> to vector<16x1xi32>
        %gather3A_409 = vector.shape_cast %broadcast_in_dim3A_408 : vector<16x1xi32> to vector<16xi32>
        %gather3A_410 = tpu.dynamic_gather %max3A_404[%gather3A_409] in [0] : vector<16xf32>, vector<16xi32> -> vector<16xf32>
        %max3A_411 = arith.maximumf %max3A_404, %gather3A_410 : vector<16xf32>
        %xor3A_412 = arith.constant 8 : i32
        %xor3A_413 = vector.broadcast %xor3A_412 : i32 to vector<16xi32>
        %xor3A_414 = arith.xori %iota3A, %xor3A_413 : vector<16xi32>
        %broadcast_in_dim3A_415 = vector.shape_cast %xor3A_414 : vector<16xi32> to vector<16x1xi32>
        %gather3A_416 = vector.shape_cast %broadcast_in_dim3A_415 : vector<16x1xi32> to vector<16xi32>
        %gather3A_417 = tpu.dynamic_gather %max3A_411[%gather3A_416] in [0] : vector<16xf32>, vector<16xi32> -> vector<16xf32>
        %max3A_418 = arith.maximumf %max3A_411, %gather3A_417 : vector<16xf32>
        %eq3A_419 = arith.cmpf oeq, %select_n3A_387, %max3A_418 : vector<16xf32>
        %convert_element_type3A_420 = arith.sitofp %select_n3A_390 : vector<16xi32> to vector<16xf32>
        %jit3A_421 = arith.constant 1.07374182E+9 : f32
        %broadcast_in_dim3A_422 = vector.broadcast %jit3A_421 : f32 to vector<16xf32>
        %select_n3A_423 = arith.select %eq3A_419, %convert_element_type3A_420, %broadcast_in_dim3A_422 : vector<16xi1>, vector<16xf32>
        %xor3A_424 = arith.constant 1 : i32
        %xor3A_425 = vector.broadcast %xor3A_424 : i32 to vector<16xi32>
        %xor3A_426 = arith.xori %iota3A, %xor3A_425 : vector<16xi32>
        %broadcast_in_dim3A_427 = vector.shape_cast %xor3A_426 : vector<16xi32> to vector<16x1xi32>
        %gather3A_428 = vector.shape_cast %broadcast_in_dim3A_427 : vector<16x1xi32> to vector<16xi32>
        %gather3A_429 = tpu.dynamic_gather %select_n3A_423[%gather3A_428] in [0] : vector<16xf32>, vector<16xi32> -> vector<16xf32>
        %min3A = arith.minimumf %select_n3A_423, %gather3A_429 : vector<16xf32>
        %xor3A_430 = arith.constant 2 : i32
        %xor3A_431 = vector.broadcast %xor3A_430 : i32 to vector<16xi32>
        %xor3A_432 = arith.xori %iota3A, %xor3A_431 : vector<16xi32>
        %broadcast_in_dim3A_433 = vector.shape_cast %xor3A_432 : vector<16xi32> to vector<16x1xi32>
        %gather3A_434 = vector.shape_cast %broadcast_in_dim3A_433 : vector<16x1xi32> to vector<16xi32>
        %gather3A_435 = tpu.dynamic_gather %min3A[%gather3A_434] in [0] : vector<16xf32>, vector<16xi32> -> vector<16xf32>
        %min3A_436 = arith.minimumf %min3A, %gather3A_435 : vector<16xf32>
        %xor3A_437 = arith.constant 4 : i32
        %xor3A_438 = vector.broadcast %xor3A_437 : i32 to vector<16xi32>
        %xor3A_439 = arith.xori %iota3A, %xor3A_438 : vector<16xi32>
        %broadcast_in_dim3A_440 = vector.shape_cast %xor3A_439 : vector<16xi32> to vector<16x1xi32>
        %gather3A_441 = vector.shape_cast %broadcast_in_dim3A_440 : vector<16x1xi32> to vector<16xi32>
        %gather3A_442 = tpu.dynamic_gather %min3A_436[%gather3A_441] in [0] : vector<16xf32>, vector<16xi32> -> vector<16xf32>
        %min3A_443 = arith.minimumf %min3A_436, %gather3A_442 : vector<16xf32>
        %xor3A_444 = arith.constant 8 : i32
        %xor3A_445 = vector.broadcast %xor3A_444 : i32 to vector<16xi32>
        %xor3A_446 = arith.xori %iota3A, %xor3A_445 : vector<16xi32>
        %broadcast_in_dim3A_447 = vector.shape_cast %xor3A_446 : vector<16xi32> to vector<16x1xi32>
        %gather3A_448 = vector.shape_cast %broadcast_in_dim3A_447 : vector<16x1xi32> to vector<16xi32>
        %gather3A_449 = tpu.dynamic_gather %min3A_443[%gather3A_448] in [0] : vector<16xf32>, vector<16xi32> -> vector<16xf32>
        %min3A_450 = arith.minimumf %min3A_443, %gather3A_449 : vector<16xf32>
        %convert_element_type3A_451 = arith.fptosi %min3A_450 : vector<16xf32> to vector<16xi32>
        %broadcast_in_dim3A_452 = arith.constant 1.07374182E+9 : f32
        %broadcast_in_dim3A_453 = vector.broadcast %broadcast_in_dim3A_452 : f32 to vector<16xf32>
        %mul3A_454 = arith.constant 256 : i32
        %mul3A_455 = vector.broadcast %mul3A_454 : i32 to vector<16xi32>
        %mul3A_456 = arith.muli %convert_element_type3A_451, %mul3A_455 : vector<16xi32>
        %add3A_457 = arith.constant 0 : i32
        %add3A_458 = vector.broadcast %add3A_457 : i32 to vector<16xi32>
        %add3A_459 = arith.addi %mul3A_456, %add3A_458 : vector<16xi32>
        %add3A_460 = arith.addi %add3A_459, %iota3A : vector<16xi32>
        %gather3A_461 = tpu.vector_load_idx %arg6[%add3A_460] : memref<4096xf32, #tpu.memory_space<vmem>>[vector<16xi32>], vector<16xf32>,
        %eq3A_462 = arith.cmpf oeq, %gather3A_461, %max3A_418 : vector<16xf32>
        %jit3A_463 = arith.constant 0.000000e+00 : f32
        %jit3A_464 = arith.constant 1.07374182E+9 : f32
        %broadcast_in_dim3A_465 = vector.broadcast %jit3A_463 : f32 to vector<16xf32>
        %broadcast_in_dim3A_466 = vector.broadcast %jit3A_464 : f32 to vector<16xf32>
        %select_n3A_467 = arith.select %eq3A_462, %broadcast_in_dim3A_465, %broadcast_in_dim3A_466 : vector<16xi1>, vector<16xf32>
        %min3A_468 = arith.minimumf %broadcast_in_dim3A_453, %select_n3A_467 : vector<16xf32>
        %mul3A_469 = arith.constant 256 : i32
        %mul3A_470 = vector.broadcast %mul3A_469 : i32 to vector<16xi32>
        %mul3A_471 = arith.muli %convert_element_type3A_451, %mul3A_470 : vector<16xi32>
        %add3A_472 = arith.constant 16 : i32
        %add3A_473 = vector.broadcast %add3A_472 : i32 to vector<16xi32>
        %add3A_474 = arith.addi %mul3A_471, %add3A_473 : vector<16xi32>
        %add3A_475 = arith.addi %add3A_474, %iota3A : vector<16xi32>
        %gather3A_476 = tpu.vector_load_idx %arg6[%add3A_475] : memref<4096xf32, #tpu.memory_space<vmem>>[vector<16xi32>], vector<16xf32>,
        %eq3A_477 = arith.cmpf oeq, %gather3A_476, %max3A_418 : vector<16xf32>
        %jit3A_478 = arith.constant 1.000000e+00 : f32
        %jit3A_479 = arith.constant 1.07374182E+9 : f32
        %broadcast_in_dim3A_480 = vector.broadcast %jit3A_478 : f32 to vector<16xf32>
        %broadcast_in_dim3A_481 = vector.broadcast %jit3A_479 : f32 to vector<16xf32>
        %select_n3A_482 = arith.select %eq3A_477, %broadcast_in_dim3A_480, %broadcast_in_dim3A_481 : vector<16xi1>, vector<16xf32>
        %min3A_483 = arith.minimumf %min3A_468, %select_n3A_482 : vector<16xf32>
        %mul3A_484 = arith.constant 256 : i32
        %mul3A_485 = vector.broadcast %mul3A_484 : i32 to vector<16xi32>
        %mul3A_486 = arith.muli %convert_element_type3A_451, %mul3A_485 : vector<16xi32>
        %add3A_487 = arith.constant 32 : i32
        %add3A_488 = vector.broadcast %add3A_487 : i32 to vector<16xi32>
        %add3A_489 = arith.addi %mul3A_486, %add3A_488 : vector<16xi32>
        %add3A_490 = arith.addi %add3A_489, %iota3A : vector<16xi32>
        %gather3A_491 = tpu.vector_load_idx %arg6[%add3A_490] : memref<4096xf32, #tpu.memory_space<vmem>>[vector<16xi32>], vector<16xf32>,
        %eq3A_492 = arith.cmpf oeq, %gather3A_491, %max3A_418 : vector<16xf32>
        %jit3A_493 = arith.constant 2.000000e+00 : f32
        %jit3A_494 = arith.constant 1.07374182E+9 : f32
        %broadcast_in_dim3A_495 = vector.broadcast %jit3A_493 : f32 to vector<16xf32>
        %broadcast_in_dim3A_496 = vector.broadcast %jit3A_494 : f32 to vector<16xf32>
        %select_n3A_497 = arith.select %eq3A_492, %broadcast_in_dim3A_495, %broadcast_in_dim3A_496 : vector<16xi1>, vector<16xf32>
        %min3A_498 = arith.minimumf %min3A_483, %select_n3A_497 : vector<16xf32>
        %mul3A_499 = arith.constant 256 : i32
        %mul3A_500 = vector.broadcast %mul3A_499 : i32 to vector<16xi32>
        %mul3A_501 = arith.muli %convert_element_type3A_451, %mul3A_500 : vector<16xi32>
        %add3A_502 = arith.constant 48 : i32
        %add3A_503 = vector.broadcast %add3A_502 : i32 to vector<16xi32>
        %add3A_504 = arith.addi %mul3A_501, %add3A_503 : vector<16xi32>
        %add3A_505 = arith.addi %add3A_504, %iota3A : vector<16xi32>
        %gather3A_506 = tpu.vector_load_idx %arg6[%add3A_505] : memref<4096xf32, #tpu.memory_space<vmem>>[vector<16xi32>], vector<16xf32>,
        %eq3A_507 = arith.cmpf oeq, %gather3A_506, %max3A_418 : vector<16xf32>
        %jit3A_508 = arith.constant 3.000000e+00 : f32
        %jit3A_509 = arith.constant 1.07374182E+9 : f32
        %broadcast_in_dim3A_510 = vector.broadcast %jit3A_508 : f32 to vector<16xf32>
        %broadcast_in_dim3A_511 = vector.broadcast %jit3A_509 : f32 to vector<16xf32>
        %select_n3A_512 = arith.select %eq3A_507, %broadcast_in_dim3A_510, %broadcast_in_dim3A_511 : vector<16xi1>, vector<16xf32>
        %min3A_513 = arith.minimumf %min3A_498, %select_n3A_512 : vector<16xf32>
        %mul3A_514 = arith.constant 256 : i32
        %mul3A_515 = vector.broadcast %mul3A_514 : i32 to vector<16xi32>
        %mul3A_516 = arith.muli %convert_element_type3A_451, %mul3A_515 : vector<16xi32>
        %add3A_517 = arith.constant 64 : i32
        %add3A_518 = vector.broadcast %add3A_517 : i32 to vector<16xi32>
        %add3A_519 = arith.addi %mul3A_516, %add3A_518 : vector<16xi32>
        %add3A_520 = arith.addi %add3A_519, %iota3A : vector<16xi32>
        %gather3A_521 = tpu.vector_load_idx %arg6[%add3A_520] : memref<4096xf32, #tpu.memory_space<vmem>>[vector<16xi32>], vector<16xf32>,
        %eq3A_522 = arith.cmpf oeq, %gather3A_521, %max3A_418 : vector<16xf32>
        %jit3A_523 = arith.constant 4.000000e+00 : f32
        %jit3A_524 = arith.constant 1.07374182E+9 : f32
        %broadcast_in_dim3A_525 = vector.broadcast %jit3A_523 : f32 to vector<16xf32>
        %broadcast_in_dim3A_526 = vector.broadcast %jit3A_524 : f32 to vector<16xf32>
        %select_n3A_527 = arith.select %eq3A_522, %broadcast_in_dim3A_525, %broadcast_in_dim3A_526 : vector<16xi1>, vector<16xf32>
        %min3A_528 = arith.minimumf %min3A_513, %select_n3A_527 : vector<16xf32>
        %mul3A_529 = arith.constant 256 : i32
        %mul3A_530 = vector.broadcast %mul3A_529 : i32 to vector<16xi32>
        %mul3A_531 = arith.muli %convert_element_type3A_451, %mul3A_530 : vector<16xi32>
        %add3A_532 = arith.constant 80 : i32
        %add3A_533 = vector.broadcast %add3A_532 : i32 to vector<16xi32>
        %add3A_534 = arith.addi %mul3A_531, %add3A_533 : vector<16xi32>
        %add3A_535 = arith.addi %add3A_534, %iota3A : vector<16xi32>
        %gather3A_536 = tpu.vector_load_idx %arg6[%add3A_535] : memref<4096xf32, #tpu.memory_space<vmem>>[vector<16xi32>], vector<16xf32>,
        %eq3A_537 = arith.cmpf oeq, %gather3A_536, %max3A_418 : vector<16xf32>
        %jit3A_538 = arith.constant 5.000000e+00 : f32
        %jit3A_539 = arith.constant 1.07374182E+9 : f32
        %broadcast_in_dim3A_540 = vector.broadcast %jit3A_538 : f32 to vector<16xf32>
        %broadcast_in_dim3A_541 = vector.broadcast %jit3A_539 : f32 to vector<16xf32>
        %select_n3A_542 = arith.select %eq3A_537, %broadcast_in_dim3A_540, %broadcast_in_dim3A_541 : vector<16xi1>, vector<16xf32>
        %min3A_543 = arith.minimumf %min3A_528, %select_n3A_542 : vector<16xf32>
        %mul3A_544 = arith.constant 256 : i32
        %mul3A_545 = vector.broadcast %mul3A_544 : i32 to vector<16xi32>
        %mul3A_546 = arith.muli %convert_element_type3A_451, %mul3A_545 : vector<16xi32>
        %add3A_547 = arith.constant 96 : i32
        %add3A_548 = vector.broadcast %add3A_547 : i32 to vector<16xi32>
        %add3A_549 = arith.addi %mul3A_546, %add3A_548 : vector<16xi32>
        %add3A_550 = arith.addi %add3A_549, %iota3A : vector<16xi32>
        %gather3A_551 = tpu.vector_load_idx %arg6[%add3A_550] : memref<4096xf32, #tpu.memory_space<vmem>>[vector<16xi32>], vector<16xf32>,
        %eq3A_552 = arith.cmpf oeq, %gather3A_551, %max3A_418 : vector<16xf32>
        %jit3A_553 = arith.constant 6.000000e+00 : f32
        %jit3A_554 = arith.constant 1.07374182E+9 : f32
        %broadcast_in_dim3A_555 = vector.broadcast %jit3A_553 : f32 to vector<16xf32>
        %broadcast_in_dim3A_556 = vector.broadcast %jit3A_554 : f32 to vector<16xf32>
        %select_n3A_557 = arith.select %eq3A_552, %broadcast_in_dim3A_555, %broadcast_in_dim3A_556 : vector<16xi1>, vector<16xf32>
        %min3A_558 = arith.minimumf %min3A_543, %select_n3A_557 : vector<16xf32>
        %mul3A_559 = arith.constant 256 : i32
        %mul3A_560 = vector.broadcast %mul3A_559 : i32 to vector<16xi32>
        %mul3A_561 = arith.muli %convert_element_type3A_451, %mul3A_560 : vector<16xi32>
        %add3A_562 = arith.constant 112 : i32
        %add3A_563 = vector.broadcast %add3A_562 : i32 to vector<16xi32>
        %add3A_564 = arith.addi %mul3A_561, %add3A_563 : vector<16xi32>
        %add3A_565 = arith.addi %add3A_564, %iota3A : vector<16xi32>
        %gather3A_566 = tpu.vector_load_idx %arg6[%add3A_565] : memref<4096xf32, #tpu.memory_space<vmem>>[vector<16xi32>], vector<16xf32>,
        %eq3A_567 = arith.cmpf oeq, %gather3A_566, %max3A_418 : vector<16xf32>
        %jit3A_568 = arith.constant 7.000000e+00 : f32
        %jit3A_569 = arith.constant 1.07374182E+9 : f32
        %broadcast_in_dim3A_570 = vector.broadcast %jit3A_568 : f32 to vector<16xf32>
        %broadcast_in_dim3A_571 = vector.broadcast %jit3A_569 : f32 to vector<16xf32>
        %select_n3A_572 = arith.select %eq3A_567, %broadcast_in_dim3A_570, %broadcast_in_dim3A_571 : vector<16xi1>, vector<16xf32>
        %min3A_573 = arith.minimumf %min3A_558, %select_n3A_572 : vector<16xf32>
        %mul3A_574 = arith.constant 256 : i32
        %mul3A_575 = vector.broadcast %mul3A_574 : i32 to vector<16xi32>
        %mul3A_576 = arith.muli %convert_element_type3A_451, %mul3A_575 : vector<16xi32>
        %add3A_577 = arith.constant 128 : i32
        %add3A_578 = vector.broadcast %add3A_577 : i32 to vector<16xi32>
        %add3A_579 = arith.addi %mul3A_576, %add3A_578 : vector<16xi32>
        %add3A_580 = arith.addi %add3A_579, %iota3A : vector<16xi32>
        %gather3A_581 = tpu.vector_load_idx %arg6[%add3A_580] : memref<4096xf32, #tpu.memory_space<vmem>>[vector<16xi32>], vector<16xf32>,
        %eq3A_582 = arith.cmpf oeq, %gather3A_581, %max3A_418 : vector<16xf32>
        %jit3A_583 = arith.constant 8.000000e+00 : f32
        %jit3A_584 = arith.constant 1.07374182E+9 : f32
        %broadcast_in_dim3A_585 = vector.broadcast %jit3A_583 : f32 to vector<16xf32>
        %broadcast_in_dim3A_586 = vector.broadcast %jit3A_584 : f32 to vector<16xf32>
        %select_n3A_587 = arith.select %eq3A_582, %broadcast_in_dim3A_585, %broadcast_in_dim3A_586 : vector<16xi1>, vector<16xf32>
        %min3A_588 = arith.minimumf %min3A_573, %select_n3A_587 : vector<16xf32>
        %mul3A_589 = arith.constant 256 : i32
        %mul3A_590 = vector.broadcast %mul3A_589 : i32 to vector<16xi32>
        %mul3A_591 = arith.muli %convert_element_type3A_451, %mul3A_590 : vector<16xi32>
        %add3A_592 = arith.constant 144 : i32
        %add3A_593 = vector.broadcast %add3A_592 : i32 to vector<16xi32>
        %add3A_594 = arith.addi %mul3A_591, %add3A_593 : vector<16xi32>
        %add3A_595 = arith.addi %add3A_594, %iota3A : vector<16xi32>
        %gather3A_596 = tpu.vector_load_idx %arg6[%add3A_595] : memref<4096xf32, #tpu.memory_space<vmem>>[vector<16xi32>], vector<16xf32>,
        %eq3A_597 = arith.cmpf oeq, %gather3A_596, %max3A_418 : vector<16xf32>
        %jit3A_598 = arith.constant 9.000000e+00 : f32
        %jit3A_599 = arith.constant 1.07374182E+9 : f32
        %broadcast_in_dim3A_600 = vector.broadcast %jit3A_598 : f32 to vector<16xf32>
        %broadcast_in_dim3A_601 = vector.broadcast %jit3A_599 : f32 to vector<16xf32>
        %select_n3A_602 = arith.select %eq3A_597, %broadcast_in_dim3A_600, %broadcast_in_dim3A_601 : vector<16xi1>, vector<16xf32>
        %min3A_603 = arith.minimumf %min3A_588, %select_n3A_602 : vector<16xf32>
        %mul3A_604 = arith.constant 256 : i32
        %mul3A_605 = vector.broadcast %mul3A_604 : i32 to vector<16xi32>
        %mul3A_606 = arith.muli %convert_element_type3A_451, %mul3A_605 : vector<16xi32>
        %add3A_607 = arith.constant 160 : i32
        %add3A_608 = vector.broadcast %add3A_607 : i32 to vector<16xi32>
        %add3A_609 = arith.addi %mul3A_606, %add3A_608 : vector<16xi32>
        %add3A_610 = arith.addi %add3A_609, %iota3A : vector<16xi32>
        %gather3A_611 = tpu.vector_load_idx %arg6[%add3A_610] : memref<4096xf32, #tpu.memory_space<vmem>>[vector<16xi32>], vector<16xf32>,
        %eq3A_612 = arith.cmpf oeq, %gather3A_611, %max3A_418 : vector<16xf32>
        %jit3A_613 = arith.constant 1.000000e+01 : f32
        %jit3A_614 = arith.constant 1.07374182E+9 : f32
        %broadcast_in_dim3A_615 = vector.broadcast %jit3A_613 : f32 to vector<16xf32>
        %broadcast_in_dim3A_616 = vector.broadcast %jit3A_614 : f32 to vector<16xf32>
        %select_n3A_617 = arith.select %eq3A_612, %broadcast_in_dim3A_615, %broadcast_in_dim3A_616 : vector<16xi1>, vector<16xf32>
        %min3A_618 = arith.minimumf %min3A_603, %select_n3A_617 : vector<16xf32>
        %mul3A_619 = arith.constant 256 : i32
        %mul3A_620 = vector.broadcast %mul3A_619 : i32 to vector<16xi32>
        %mul3A_621 = arith.muli %convert_element_type3A_451, %mul3A_620 : vector<16xi32>
        %add3A_622 = arith.constant 176 : i32
        %add3A_623 = vector.broadcast %add3A_622 : i32 to vector<16xi32>
        %add3A_624 = arith.addi %mul3A_621, %add3A_623 : vector<16xi32>
        %add3A_625 = arith.addi %add3A_624, %iota3A : vector<16xi32>
        %gather3A_626 = tpu.vector_load_idx %arg6[%add3A_625] : memref<4096xf32, #tpu.memory_space<vmem>>[vector<16xi32>], vector<16xf32>,
        %eq3A_627 = arith.cmpf oeq, %gather3A_626, %max3A_418 : vector<16xf32>
        %jit3A_628 = arith.constant 1.100000e+01 : f32
        %jit3A_629 = arith.constant 1.07374182E+9 : f32
        %broadcast_in_dim3A_630 = vector.broadcast %jit3A_628 : f32 to vector<16xf32>
        %broadcast_in_dim3A_631 = vector.broadcast %jit3A_629 : f32 to vector<16xf32>
        %select_n3A_632 = arith.select %eq3A_627, %broadcast_in_dim3A_630, %broadcast_in_dim3A_631 : vector<16xi1>, vector<16xf32>
        %min3A_633 = arith.minimumf %min3A_618, %select_n3A_632 : vector<16xf32>
        %mul3A_634 = arith.constant 256 : i32
        %mul3A_635 = vector.broadcast %mul3A_634 : i32 to vector<16xi32>
        %mul3A_636 = arith.muli %convert_element_type3A_451, %mul3A_635 : vector<16xi32>
        %add3A_637 = arith.constant 192 : i32
        %add3A_638 = vector.broadcast %add3A_637 : i32 to vector<16xi32>
        %add3A_639 = arith.addi %mul3A_636, %add3A_638 : vector<16xi32>
        %add3A_640 = arith.addi %add3A_639, %iota3A : vector<16xi32>
        %gather3A_641 = tpu.vector_load_idx %arg6[%add3A_640] : memref<4096xf32, #tpu.memory_space<vmem>>[vector<16xi32>], vector<16xf32>,
        %eq3A_642 = arith.cmpf oeq, %gather3A_641, %max3A_418 : vector<16xf32>
        %jit3A_643 = arith.constant 1.200000e+01 : f32
        %jit3A_644 = arith.constant 1.07374182E+9 : f32
        %broadcast_in_dim3A_645 = vector.broadcast %jit3A_643 : f32 to vector<16xf32>
        %broadcast_in_dim3A_646 = vector.broadcast %jit3A_644 : f32 to vector<16xf32>
        %select_n3A_647 = arith.select %eq3A_642, %broadcast_in_dim3A_645, %broadcast_in_dim3A_646 : vector<16xi1>, vector<16xf32>
        %min3A_648 = arith.minimumf %min3A_633, %select_n3A_647 : vector<16xf32>
        %mul3A_649 = arith.constant 256 : i32
        %mul3A_650 = vector.broadcast %mul3A_649 : i32 to vector<16xi32>
        %mul3A_651 = arith.muli %convert_element_type3A_451, %mul3A_650 : vector<16xi32>
        %add3A_652 = arith.constant 208 : i32
        %add3A_653 = vector.broadcast %add3A_652 : i32 to vector<16xi32>
        %add3A_654 = arith.addi %mul3A_651, %add3A_653 : vector<16xi32>
        %add3A_655 = arith.addi %add3A_654, %iota3A : vector<16xi32>
        %gather3A_656 = tpu.vector_load_idx %arg6[%add3A_655] : memref<4096xf32, #tpu.memory_space<vmem>>[vector<16xi32>], vector<16xf32>,
        %eq3A_657 = arith.cmpf oeq, %gather3A_656, %max3A_418 : vector<16xf32>
        %jit3A_658 = arith.constant 1.300000e+01 : f32
        %jit3A_659 = arith.constant 1.07374182E+9 : f32
        %broadcast_in_dim3A_660 = vector.broadcast %jit3A_658 : f32 to vector<16xf32>
        %broadcast_in_dim3A_661 = vector.broadcast %jit3A_659 : f32 to vector<16xf32>
        %select_n3A_662 = arith.select %eq3A_657, %broadcast_in_dim3A_660, %broadcast_in_dim3A_661 : vector<16xi1>, vector<16xf32>
        %min3A_663 = arith.minimumf %min3A_648, %select_n3A_662 : vector<16xf32>
        %mul3A_664 = arith.constant 256 : i32
        %mul3A_665 = vector.broadcast %mul3A_664 : i32 to vector<16xi32>
        %mul3A_666 = arith.muli %convert_element_type3A_451, %mul3A_665 : vector<16xi32>
        %add3A_667 = arith.constant 224 : i32
        %add3A_668 = vector.broadcast %add3A_667 : i32 to vector<16xi32>
        %add3A_669 = arith.addi %mul3A_666, %add3A_668 : vector<16xi32>
        %add3A_670 = arith.addi %add3A_669, %iota3A : vector<16xi32>
        %gather3A_671 = tpu.vector_load_idx %arg6[%add3A_670] : memref<4096xf32, #tpu.memory_space<vmem>>[vector<16xi32>], vector<16xf32>,
        %eq3A_672 = arith.cmpf oeq, %gather3A_671, %max3A_418 : vector<16xf32>
        %jit3A_673 = arith.constant 1.400000e+01 : f32
        %jit3A_674 = arith.constant 1.07374182E+9 : f32
        %broadcast_in_dim3A_675 = vector.broadcast %jit3A_673 : f32 to vector<16xf32>
        %broadcast_in_dim3A_676 = vector.broadcast %jit3A_674 : f32 to vector<16xf32>
        %select_n3A_677 = arith.select %eq3A_672, %broadcast_in_dim3A_675, %broadcast_in_dim3A_676 : vector<16xi1>, vector<16xf32>
        %min3A_678 = arith.minimumf %min3A_663, %select_n3A_677 : vector<16xf32>
        %mul3A_679 = arith.constant 256 : i32
        %mul3A_680 = vector.broadcast %mul3A_679 : i32 to vector<16xi32>
        %mul3A_681 = arith.muli %convert_element_type3A_451, %mul3A_680 : vector<16xi32>
        %add3A_682 = arith.constant 240 : i32
        %add3A_683 = vector.broadcast %add3A_682 : i32 to vector<16xi32>
        %add3A_684 = arith.addi %mul3A_681, %add3A_683 : vector<16xi32>
        %add3A_685 = arith.addi %add3A_684, %iota3A : vector<16xi32>
        %gather3A_686 = tpu.vector_load_idx %arg6[%add3A_685] : memref<4096xf32, #tpu.memory_space<vmem>>[vector<16xi32>], vector<16xf32>,
        %eq3A_687 = arith.cmpf oeq, %gather3A_686, %max3A_418 : vector<16xf32>
        %jit3A_688 = arith.constant 1.500000e+01 : f32
        %jit3A_689 = arith.constant 1.07374182E+9 : f32
        %broadcast_in_dim3A_690 = vector.broadcast %jit3A_688 : f32 to vector<16xf32>
        %broadcast_in_dim3A_691 = vector.broadcast %jit3A_689 : f32 to vector<16xf32>
        %select_n3A_692 = arith.select %eq3A_687, %broadcast_in_dim3A_690, %broadcast_in_dim3A_691 : vector<16xi1>, vector<16xf32>
        %min3A_693 = arith.minimumf %min3A_678, %select_n3A_692 : vector<16xf32>
        %mul3A_694 = arith.constant 16 : i32
        %mul3A_695 = vector.broadcast %mul3A_694 : i32 to vector<16xi32>
        %mul3A_696 = arith.muli %convert_element_type3A_451, %mul3A_695 : vector<16xi32>
        %xor3A_697 = arith.constant 1 : i32
        %xor3A_698 = vector.broadcast %xor3A_697 : i32 to vector<16xi32>
        %xor3A_699 = arith.xori %iota3A, %xor3A_698 : vector<16xi32>
        %broadcast_in_dim3A_700 = vector.shape_cast %xor3A_699 : vector<16xi32> to vector<16x1xi32>
        %gather3A_701 = vector.shape_cast %broadcast_in_dim3A_700 : vector<16x1xi32> to vector<16xi32>
        %gather3A_702 = tpu.dynamic_gather %min3A_693[%gather3A_701] in [0] : vector<16xf32>, vector<16xi32> -> vector<16xf32>
        %min3A_703 = arith.minimumf %min3A_693, %gather3A_702 : vector<16xf32>
        %xor3A_704 = arith.constant 2 : i32
        %xor3A_705 = vector.broadcast %xor3A_704 : i32 to vector<16xi32>
        %xor3A_706 = arith.xori %iota3A, %xor3A_705 : vector<16xi32>
        %broadcast_in_dim3A_707 = vector.shape_cast %xor3A_706 : vector<16xi32> to vector<16x1xi32>
        %gather3A_708 = vector.shape_cast %broadcast_in_dim3A_707 : vector<16x1xi32> to vector<16xi32>
        %gather3A_709 = tpu.dynamic_gather %min3A_703[%gather3A_708] in [0] : vector<16xf32>, vector<16xi32> -> vector<16xf32>
        %min3A_710 = arith.minimumf %min3A_703, %gather3A_709 : vector<16xf32>
        %xor3A_711 = arith.constant 4 : i32
        %xor3A_712 = vector.broadcast %xor3A_711 : i32 to vector<16xi32>
        %xor3A_713 = arith.xori %iota3A, %xor3A_712 : vector<16xi32>
        %broadcast_in_dim3A_714 = vector.shape_cast %xor3A_713 : vector<16xi32> to vector<16x1xi32>
        %gather3A_715 = vector.shape_cast %broadcast_in_dim3A_714 : vector<16x1xi32> to vector<16xi32>
        %gather3A_716 = tpu.dynamic_gather %min3A_710[%gather3A_715] in [0] : vector<16xf32>, vector<16xi32> -> vector<16xf32>
        %min3A_717 = arith.minimumf %min3A_710, %gather3A_716 : vector<16xf32>
        %xor3A_718 = arith.constant 8 : i32
        %xor3A_719 = vector.broadcast %xor3A_718 : i32 to vector<16xi32>
        %xor3A_720 = arith.xori %iota3A, %xor3A_719 : vector<16xi32>
        %broadcast_in_dim3A_721 = vector.shape_cast %xor3A_720 : vector<16xi32> to vector<16x1xi32>
        %gather3A_722 = vector.shape_cast %broadcast_in_dim3A_721 : vector<16x1xi32> to vector<16xi32>
        %gather3A_723 = tpu.dynamic_gather %min3A_717[%gather3A_722] in [0] : vector<16xf32>, vector<16xi32> -> vector<16xf32>
        %min3A_724 = arith.minimumf %min3A_717, %gather3A_723 : vector<16xf32>
        %convert_element_type3A_725 = arith.fptosi %min3A_724 : vector<16xf32> to vector<16xi32>
        %add3A_726 = arith.addi %mul3A_696, %convert_element_type3A_725 : vector<16xi32>
        %broadcast_in_dim3A_727 = arith.constant 1.07374182E+9 : f32
        %broadcast_in_dim3A_728 = vector.broadcast %broadcast_in_dim3A_727 : f32 to vector<16xf32>
        %mul3A_729 = arith.constant 256 : i32
        %mul3A_730 = vector.broadcast %mul3A_729 : i32 to vector<16xi32>
        %mul3A_731 = arith.muli %add3A_726, %mul3A_730 : vector<16xi32>
        %mul3A_732 = arith.constant 16 : i32
        %mul3A_733 = vector.broadcast %mul3A_732 : i32 to vector<16xi32>
        %mul3A_734 = arith.muli %mul3A_733, %iota3A : vector<16xi32>
        %add3A_735 = arith.addi %mul3A_731, %mul3A_734 : vector<16xi32>
        %add3A_736 = arith.constant 0 : i32
        %add3A_737 = vector.broadcast %add3A_736 : i32 to vector<16xi32>
        %add3A_738 = arith.addi %add3A_735, %add3A_737 : vector<16xi32>
        %gather3A_739 = tpu.vector_load_idx %arg5[%add3A_738] : memref<65536xf32, #tpu.memory_space<vmem>>[vector<16xi32>], vector<16xf32>,
        %eq3A_740 = arith.cmpf oeq, %gather3A_739, %max3A_418 : vector<16xf32>
        %convert_element_type3A_741 = arith.sitofp %add3A_738 : vector<16xi32> to vector<16xf32>
        %jit3A_742 = arith.constant 1.07374182E+9 : f32
        %broadcast_in_dim3A_743 = vector.broadcast %jit3A_742 : f32 to vector<16xf32>
        %select_n3A_744 = arith.select %eq3A_740, %convert_element_type3A_741, %broadcast_in_dim3A_743 : vector<16xi1>, vector<16xf32>
        %min3A_745 = arith.minimumf %broadcast_in_dim3A_728, %select_n3A_744 : vector<16xf32>
        %mul3A_746 = arith.constant 256 : i32
        %mul3A_747 = vector.broadcast %mul3A_746 : i32 to vector<16xi32>
        %mul3A_748 = arith.muli %add3A_726, %mul3A_747 : vector<16xi32>
        %mul3A_749 = arith.constant 16 : i32
        %mul3A_750 = vector.broadcast %mul3A_749 : i32 to vector<16xi32>
        %mul3A_751 = arith.muli %mul3A_750, %iota3A : vector<16xi32>
        %add3A_752 = arith.addi %mul3A_748, %mul3A_751 : vector<16xi32>
        %add3A_753 = arith.constant 1 : i32
        %add3A_754 = vector.broadcast %add3A_753 : i32 to vector<16xi32>
        %add3A_755 = arith.addi %add3A_752, %add3A_754 : vector<16xi32>
        %gather3A_756 = tpu.vector_load_idx %arg5[%add3A_755] : memref<65536xf32, #tpu.memory_space<vmem>>[vector<16xi32>], vector<16xf32>,
        %eq3A_757 = arith.cmpf oeq, %gather3A_756, %max3A_418 : vector<16xf32>
        %convert_element_type3A_758 = arith.sitofp %add3A_755 : vector<16xi32> to vector<16xf32>
        %jit3A_759 = arith.constant 1.07374182E+9 : f32
        %broadcast_in_dim3A_760 = vector.broadcast %jit3A_759 : f32 to vector<16xf32>
        %select_n3A_761 = arith.select %eq3A_757, %convert_element_type3A_758, %broadcast_in_dim3A_760 : vector<16xi1>, vector<16xf32>
        %min3A_762 = arith.minimumf %min3A_745, %select_n3A_761 : vector<16xf32>
        %mul3A_763 = arith.constant 256 : i32
        %mul3A_764 = vector.broadcast %mul3A_763 : i32 to vector<16xi32>
        %mul3A_765 = arith.muli %add3A_726, %mul3A_764 : vector<16xi32>
        %mul3A_766 = arith.constant 16 : i32
        %mul3A_767 = vector.broadcast %mul3A_766 : i32 to vector<16xi32>
        %mul3A_768 = arith.muli %mul3A_767, %iota3A : vector<16xi32>
        %add3A_769 = arith.addi %mul3A_765, %mul3A_768 : vector<16xi32>
        %add3A_770 = arith.constant 2 : i32
        %add3A_771 = vector.broadcast %add3A_770 : i32 to vector<16xi32>
        %add3A_772 = arith.addi %add3A_769, %add3A_771 : vector<16xi32>
        %gather3A_773 = tpu.vector_load_idx %arg5[%add3A_772] : memref<65536xf32, #tpu.memory_space<vmem>>[vector<16xi32>], vector<16xf32>,
        %eq3A_774 = arith.cmpf oeq, %gather3A_773, %max3A_418 : vector<16xf32>
        %convert_element_type3A_775 = arith.sitofp %add3A_772 : vector<16xi32> to vector<16xf32>
        %jit3A_776 = arith.constant 1.07374182E+9 : f32
        %broadcast_in_dim3A_777 = vector.broadcast %jit3A_776 : f32 to vector<16xf32>
        %select_n3A_778 = arith.select %eq3A_774, %convert_element_type3A_775, %broadcast_in_dim3A_777 : vector<16xi1>, vector<16xf32>
        %min3A_779 = arith.minimumf %min3A_762, %select_n3A_778 : vector<16xf32>
        %mul3A_780 = arith.constant 256 : i32
        %mul3A_781 = vector.broadcast %mul3A_780 : i32 to vector<16xi32>
        %mul3A_782 = arith.muli %add3A_726, %mul3A_781 : vector<16xi32>
        %mul3A_783 = arith.constant 16 : i32
        %mul3A_784 = vector.broadcast %mul3A_783 : i32 to vector<16xi32>
        %mul3A_785 = arith.muli %mul3A_784, %iota3A : vector<16xi32>
        %add3A_786 = arith.addi %mul3A_782, %mul3A_785 : vector<16xi32>
        %add3A_787 = arith.constant 3 : i32
        %add3A_788 = vector.broadcast %add3A_787 : i32 to vector<16xi32>
        %add3A_789 = arith.addi %add3A_786, %add3A_788 : vector<16xi32>
        %gather3A_790 = tpu.vector_load_idx %arg5[%add3A_789] : memref<65536xf32, #tpu.memory_space<vmem>>[vector<16xi32>], vector<16xf32>,
        %eq3A_791 = arith.cmpf oeq, %gather3A_790, %max3A_418 : vector<16xf32>
        %convert_element_type3A_792 = arith.sitofp %add3A_789 : vector<16xi32> to vector<16xf32>
        %jit3A_793 = arith.constant 1.07374182E+9 : f32
        %broadcast_in_dim3A_794 = vector.broadcast %jit3A_793 : f32 to vector<16xf32>
        %select_n3A_795 = arith.select %eq3A_791, %convert_element_type3A_792, %broadcast_in_dim3A_794 : vector<16xi1>, vector<16xf32>
        %min3A_796 = arith.minimumf %min3A_779, %select_n3A_795 : vector<16xf32>
        %mul3A_797 = arith.constant 256 : i32
        %mul3A_798 = vector.broadcast %mul3A_797 : i32 to vector<16xi32>
        %mul3A_799 = arith.muli %add3A_726, %mul3A_798 : vector<16xi32>
        %mul3A_800 = arith.constant 16 : i32
        %mul3A_801 = vector.broadcast %mul3A_800 : i32 to vector<16xi32>
        %mul3A_802 = arith.muli %mul3A_801, %iota3A : vector<16xi32>
        %add3A_803 = arith.addi %mul3A_799, %mul3A_802 : vector<16xi32>
        %add3A_804 = arith.constant 4 : i32
        %add3A_805 = vector.broadcast %add3A_804 : i32 to vector<16xi32>
        %add3A_806 = arith.addi %add3A_803, %add3A_805 : vector<16xi32>
        %gather3A_807 = tpu.vector_load_idx %arg5[%add3A_806] : memref<65536xf32, #tpu.memory_space<vmem>>[vector<16xi32>], vector<16xf32>,
        %eq3A_808 = arith.cmpf oeq, %gather3A_807, %max3A_418 : vector<16xf32>
        %convert_element_type3A_809 = arith.sitofp %add3A_806 : vector<16xi32> to vector<16xf32>
        %jit3A_810 = arith.constant 1.07374182E+9 : f32
        %broadcast_in_dim3A_811 = vector.broadcast %jit3A_810 : f32 to vector<16xf32>
        %select_n3A_812 = arith.select %eq3A_808, %convert_element_type3A_809, %broadcast_in_dim3A_811 : vector<16xi1>, vector<16xf32>
        %min3A_813 = arith.minimumf %min3A_796, %select_n3A_812 : vector<16xf32>
        %mul3A_814 = arith.constant 256 : i32
        %mul3A_815 = vector.broadcast %mul3A_814 : i32 to vector<16xi32>
        %mul3A_816 = arith.muli %add3A_726, %mul3A_815 : vector<16xi32>
        %mul3A_817 = arith.constant 16 : i32
        %mul3A_818 = vector.broadcast %mul3A_817 : i32 to vector<16xi32>
        %mul3A_819 = arith.muli %mul3A_818, %iota3A : vector<16xi32>
        %add3A_820 = arith.addi %mul3A_816, %mul3A_819 : vector<16xi32>
        %add3A_821 = arith.constant 5 : i32
        %add3A_822 = vector.broadcast %add3A_821 : i32 to vector<16xi32>
        %add3A_823 = arith.addi %add3A_820, %add3A_822 : vector<16xi32>
        %gather3A_824 = tpu.vector_load_idx %arg5[%add3A_823] : memref<65536xf32, #tpu.memory_space<vmem>>[vector<16xi32>], vector<16xf32>,
        %eq3A_825 = arith.cmpf oeq, %gather3A_824, %max3A_418 : vector<16xf32>
        %convert_element_type3A_826 = arith.sitofp %add3A_823 : vector<16xi32> to vector<16xf32>
        %jit3A_827 = arith.constant 1.07374182E+9 : f32
        %broadcast_in_dim3A_828 = vector.broadcast %jit3A_827 : f32 to vector<16xf32>
        %select_n3A_829 = arith.select %eq3A_825, %convert_element_type3A_826, %broadcast_in_dim3A_828 : vector<16xi1>, vector<16xf32>
        %min3A_830 = arith.minimumf %min3A_813, %select_n3A_829 : vector<16xf32>
        %mul3A_831 = arith.constant 256 : i32
        %mul3A_832 = vector.broadcast %mul3A_831 : i32 to vector<16xi32>
        %mul3A_833 = arith.muli %add3A_726, %mul3A_832 : vector<16xi32>
        %mul3A_834 = arith.constant 16 : i32
        %mul3A_835 = vector.broadcast %mul3A_834 : i32 to vector<16xi32>
        %mul3A_836 = arith.muli %mul3A_835, %iota3A : vector<16xi32>
        %add3A_837 = arith.addi %mul3A_833, %mul3A_836 : vector<16xi32>
        %add3A_838 = arith.constant 6 : i32
        %add3A_839 = vector.broadcast %add3A_838 : i32 to vector<16xi32>
        %add3A_840 = arith.addi %add3A_837, %add3A_839 : vector<16xi32>
        %gather3A_841 = tpu.vector_load_idx %arg5[%add3A_840] : memref<65536xf32, #tpu.memory_space<vmem>>[vector<16xi32>], vector<16xf32>,
        %eq3A_842 = arith.cmpf oeq, %gather3A_841, %max3A_418 : vector<16xf32>
        %convert_element_type3A_843 = arith.sitofp %add3A_840 : vector<16xi32> to vector<16xf32>
        %jit3A_844 = arith.constant 1.07374182E+9 : f32
        %broadcast_in_dim3A_845 = vector.broadcast %jit3A_844 : f32 to vector<16xf32>
        %select_n3A_846 = arith.select %eq3A_842, %convert_element_type3A_843, %broadcast_in_dim3A_845 : vector<16xi1>, vector<16xf32>
        %min3A_847 = arith.minimumf %min3A_830, %select_n3A_846 : vector<16xf32>
        %mul3A_848 = arith.constant 256 : i32
        %mul3A_849 = vector.broadcast %mul3A_848 : i32 to vector<16xi32>
        %mul3A_850 = arith.muli %add3A_726, %mul3A_849 : vector<16xi32>
        %mul3A_851 = arith.constant 16 : i32
        %mul3A_852 = vector.broadcast %mul3A_851 : i32 to vector<16xi32>
        %mul3A_853 = arith.muli %mul3A_852, %iota3A : vector<16xi32>
        %add3A_854 = arith.addi %mul3A_850, %mul3A_853 : vector<16xi32>
        %add3A_855 = arith.constant 7 : i32
        %add3A_856 = vector.broadcast %add3A_855 : i32 to vector<16xi32>
        %add3A_857 = arith.addi %add3A_854, %add3A_856 : vector<16xi32>
        %gather3A_858 = tpu.vector_load_idx %arg5[%add3A_857] : memref<65536xf32, #tpu.memory_space<vmem>>[vector<16xi32>], vector<16xf32>,
        %eq3A_859 = arith.cmpf oeq, %gather3A_858, %max3A_418 : vector<16xf32>
        %convert_element_type3A_860 = arith.sitofp %add3A_857 : vector<16xi32> to vector<16xf32>
        %jit3A_861 = arith.constant 1.07374182E+9 : f32
        %broadcast_in_dim3A_862 = vector.broadcast %jit3A_861 : f32 to vector<16xf32>
        %select_n3A_863 = arith.select %eq3A_859, %convert_element_type3A_860, %broadcast_in_dim3A_862 : vector<16xi1>, vector<16xf32>
        %min3A_864 = arith.minimumf %min3A_847, %select_n3A_863 : vector<16xf32>
        %mul3A_865 = arith.constant 256 : i32
        %mul3A_866 = vector.broadcast %mul3A_865 : i32 to vector<16xi32>
        %mul3A_867 = arith.muli %add3A_726, %mul3A_866 : vector<16xi32>
        %mul3A_868 = arith.constant 16 : i32
        %mul3A_869 = vector.broadcast %mul3A_868 : i32 to vector<16xi32>
        %mul3A_870 = arith.muli %mul3A_869, %iota3A : vector<16xi32>
        %add3A_871 = arith.addi %mul3A_867, %mul3A_870 : vector<16xi32>
        %add3A_872 = arith.constant 8 : i32
        %add3A_873 = vector.broadcast %add3A_872 : i32 to vector<16xi32>
        %add3A_874 = arith.addi %add3A_871, %add3A_873 : vector<16xi32>
        %gather3A_875 = tpu.vector_load_idx %arg5[%add3A_874] : memref<65536xf32, #tpu.memory_space<vmem>>[vector<16xi32>], vector<16xf32>,
        %eq3A_876 = arith.cmpf oeq, %gather3A_875, %max3A_418 : vector<16xf32>
        %convert_element_type3A_877 = arith.sitofp %add3A_874 : vector<16xi32> to vector<16xf32>
        %jit3A_878 = arith.constant 1.07374182E+9 : f32
        %broadcast_in_dim3A_879 = vector.broadcast %jit3A_878 : f32 to vector<16xf32>
        %select_n3A_880 = arith.select %eq3A_876, %convert_element_type3A_877, %broadcast_in_dim3A_879 : vector<16xi1>, vector<16xf32>
        %min3A_881 = arith.minimumf %min3A_864, %select_n3A_880 : vector<16xf32>
        %mul3A_882 = arith.constant 256 : i32
        %mul3A_883 = vector.broadcast %mul3A_882 : i32 to vector<16xi32>
        %mul3A_884 = arith.muli %add3A_726, %mul3A_883 : vector<16xi32>
        %mul3A_885 = arith.constant 16 : i32
        %mul3A_886 = vector.broadcast %mul3A_885 : i32 to vector<16xi32>
        %mul3A_887 = arith.muli %mul3A_886, %iota3A : vector<16xi32>
        %add3A_888 = arith.addi %mul3A_884, %mul3A_887 : vector<16xi32>
        %add3A_889 = arith.constant 9 : i32
        %add3A_890 = vector.broadcast %add3A_889 : i32 to vector<16xi32>
        %add3A_891 = arith.addi %add3A_888, %add3A_890 : vector<16xi32>
        %gather3A_892 = tpu.vector_load_idx %arg5[%add3A_891] : memref<65536xf32, #tpu.memory_space<vmem>>[vector<16xi32>], vector<16xf32>,
        %eq3A_893 = arith.cmpf oeq, %gather3A_892, %max3A_418 : vector<16xf32>
        %convert_element_type3A_894 = arith.sitofp %add3A_891 : vector<16xi32> to vector<16xf32>
        %jit3A_895 = arith.constant 1.07374182E+9 : f32
        %broadcast_in_dim3A_896 = vector.broadcast %jit3A_895 : f32 to vector<16xf32>
        %select_n3A_897 = arith.select %eq3A_893, %convert_element_type3A_894, %broadcast_in_dim3A_896 : vector<16xi1>, vector<16xf32>
        %min3A_898 = arith.minimumf %min3A_881, %select_n3A_897 : vector<16xf32>
        %mul3A_899 = arith.constant 256 : i32
        %mul3A_900 = vector.broadcast %mul3A_899 : i32 to vector<16xi32>
        %mul3A_901 = arith.muli %add3A_726, %mul3A_900 : vector<16xi32>
        %mul3A_902 = arith.constant 16 : i32
        %mul3A_903 = vector.broadcast %mul3A_902 : i32 to vector<16xi32>
        %mul3A_904 = arith.muli %mul3A_903, %iota3A : vector<16xi32>
        %add3A_905 = arith.addi %mul3A_901, %mul3A_904 : vector<16xi32>
        %add3A_906 = arith.constant 10 : i32
        %add3A_907 = vector.broadcast %add3A_906 : i32 to vector<16xi32>
        %add3A_908 = arith.addi %add3A_905, %add3A_907 : vector<16xi32>
        %gather3A_909 = tpu.vector_load_idx %arg5[%add3A_908] : memref<65536xf32, #tpu.memory_space<vmem>>[vector<16xi32>], vector<16xf32>,
        %eq3A_910 = arith.cmpf oeq, %gather3A_909, %max3A_418 : vector<16xf32>
        %convert_element_type3A_911 = arith.sitofp %add3A_908 : vector<16xi32> to vector<16xf32>
        %jit3A_912 = arith.constant 1.07374182E+9 : f32
        %broadcast_in_dim3A_913 = vector.broadcast %jit3A_912 : f32 to vector<16xf32>
        %select_n3A_914 = arith.select %eq3A_910, %convert_element_type3A_911, %broadcast_in_dim3A_913 : vector<16xi1>, vector<16xf32>
        %min3A_915 = arith.minimumf %min3A_898, %select_n3A_914 : vector<16xf32>
        %mul3A_916 = arith.constant 256 : i32
        %mul3A_917 = vector.broadcast %mul3A_916 : i32 to vector<16xi32>
        %mul3A_918 = arith.muli %add3A_726, %mul3A_917 : vector<16xi32>
        %mul3A_919 = arith.constant 16 : i32
        %mul3A_920 = vector.broadcast %mul3A_919 : i32 to vector<16xi32>
        %mul3A_921 = arith.muli %mul3A_920, %iota3A : vector<16xi32>
        %add3A_922 = arith.addi %mul3A_918, %mul3A_921 : vector<16xi32>
        %add3A_923 = arith.constant 11 : i32
        %add3A_924 = vector.broadcast %add3A_923 : i32 to vector<16xi32>
        %add3A_925 = arith.addi %add3A_922, %add3A_924 : vector<16xi32>
        %gather3A_926 = tpu.vector_load_idx %arg5[%add3A_925] : memref<65536xf32, #tpu.memory_space<vmem>>[vector<16xi32>], vector<16xf32>,
        %eq3A_927 = arith.cmpf oeq, %gather3A_926, %max3A_418 : vector<16xf32>
        %convert_element_type3A_928 = arith.sitofp %add3A_925 : vector<16xi32> to vector<16xf32>
        %jit3A_929 = arith.constant 1.07374182E+9 : f32
        %broadcast_in_dim3A_930 = vector.broadcast %jit3A_929 : f32 to vector<16xf32>
        %select_n3A_931 = arith.select %eq3A_927, %convert_element_type3A_928, %broadcast_in_dim3A_930 : vector<16xi1>, vector<16xf32>
        %min3A_932 = arith.minimumf %min3A_915, %select_n3A_931 : vector<16xf32>
        %mul3A_933 = arith.constant 256 : i32
        %mul3A_934 = vector.broadcast %mul3A_933 : i32 to vector<16xi32>
        %mul3A_935 = arith.muli %add3A_726, %mul3A_934 : vector<16xi32>
        %mul3A_936 = arith.constant 16 : i32
        %mul3A_937 = vector.broadcast %mul3A_936 : i32 to vector<16xi32>
        %mul3A_938 = arith.muli %mul3A_937, %iota3A : vector<16xi32>
        %add3A_939 = arith.addi %mul3A_935, %mul3A_938 : vector<16xi32>
        %add3A_940 = arith.constant 12 : i32
        %add3A_941 = vector.broadcast %add3A_940 : i32 to vector<16xi32>
        %add3A_942 = arith.addi %add3A_939, %add3A_941 : vector<16xi32>
        %gather3A_943 = tpu.vector_load_idx %arg5[%add3A_942] : memref<65536xf32, #tpu.memory_space<vmem>>[vector<16xi32>], vector<16xf32>,
        %eq3A_944 = arith.cmpf oeq, %gather3A_943, %max3A_418 : vector<16xf32>
        %convert_element_type3A_945 = arith.sitofp %add3A_942 : vector<16xi32> to vector<16xf32>
        %jit3A_946 = arith.constant 1.07374182E+9 : f32
        %broadcast_in_dim3A_947 = vector.broadcast %jit3A_946 : f32 to vector<16xf32>
        %select_n3A_948 = arith.select %eq3A_944, %convert_element_type3A_945, %broadcast_in_dim3A_947 : vector<16xi1>, vector<16xf32>
        %min3A_949 = arith.minimumf %min3A_932, %select_n3A_948 : vector<16xf32>
        %mul3A_950 = arith.constant 256 : i32
        %mul3A_951 = vector.broadcast %mul3A_950 : i32 to vector<16xi32>
        %mul3A_952 = arith.muli %add3A_726, %mul3A_951 : vector<16xi32>
        %mul3A_953 = arith.constant 16 : i32
        %mul3A_954 = vector.broadcast %mul3A_953 : i32 to vector<16xi32>
        %mul3A_955 = arith.muli %mul3A_954, %iota3A : vector<16xi32>
        %add3A_956 = arith.addi %mul3A_952, %mul3A_955 : vector<16xi32>
        %add3A_957 = arith.constant 13 : i32
        %add3A_958 = vector.broadcast %add3A_957 : i32 to vector<16xi32>
        %add3A_959 = arith.addi %add3A_956, %add3A_958 : vector<16xi32>
        %gather3A_960 = tpu.vector_load_idx %arg5[%add3A_959] : memref<65536xf32, #tpu.memory_space<vmem>>[vector<16xi32>], vector<16xf32>,
        %eq3A_961 = arith.cmpf oeq, %gather3A_960, %max3A_418 : vector<16xf32>
        %convert_element_type3A_962 = arith.sitofp %add3A_959 : vector<16xi32> to vector<16xf32>
        %jit3A_963 = arith.constant 1.07374182E+9 : f32
        %broadcast_in_dim3A_964 = vector.broadcast %jit3A_963 : f32 to vector<16xf32>
        %select_n3A_965 = arith.select %eq3A_961, %convert_element_type3A_962, %broadcast_in_dim3A_964 : vector<16xi1>, vector<16xf32>
        %min3A_966 = arith.minimumf %min3A_949, %select_n3A_965 : vector<16xf32>
        %mul3A_967 = arith.constant 256 : i32
        %mul3A_968 = vector.broadcast %mul3A_967 : i32 to vector<16xi32>
        %mul3A_969 = arith.muli %add3A_726, %mul3A_968 : vector<16xi32>
        %mul3A_970 = arith.constant 16 : i32
        %mul3A_971 = vector.broadcast %mul3A_970 : i32 to vector<16xi32>
        %mul3A_972 = arith.muli %mul3A_971, %iota3A : vector<16xi32>
        %add3A_973 = arith.addi %mul3A_969, %mul3A_972 : vector<16xi32>
        %add3A_974 = arith.constant 14 : i32
        %add3A_975 = vector.broadcast %add3A_974 : i32 to vector<16xi32>
        %add3A_976 = arith.addi %add3A_973, %add3A_975 : vector<16xi32>
        %gather3A_977 = tpu.vector_load_idx %arg5[%add3A_976] : memref<65536xf32, #tpu.memory_space<vmem>>[vector<16xi32>], vector<16xf32>,
        %eq3A_978 = arith.cmpf oeq, %gather3A_977, %max3A_418 : vector<16xf32>
        %convert_element_type3A_979 = arith.sitofp %add3A_976 : vector<16xi32> to vector<16xf32>
        %jit3A_980 = arith.constant 1.07374182E+9 : f32
        %broadcast_in_dim3A_981 = vector.broadcast %jit3A_980 : f32 to vector<16xf32>
        %select_n3A_982 = arith.select %eq3A_978, %convert_element_type3A_979, %broadcast_in_dim3A_981 : vector<16xi1>, vector<16xf32>
        %min3A_983 = arith.minimumf %min3A_966, %select_n3A_982 : vector<16xf32>
        %mul3A_984 = arith.constant 256 : i32
        %mul3A_985 = vector.broadcast %mul3A_984 : i32 to vector<16xi32>
        %mul3A_986 = arith.muli %add3A_726, %mul3A_985 : vector<16xi32>
        %mul3A_987 = arith.constant 16 : i32
        %mul3A_988 = vector.broadcast %mul3A_987 : i32 to vector<16xi32>
        %mul3A_989 = arith.muli %mul3A_988, %iota3A : vector<16xi32>
        %add3A_990 = arith.addi %mul3A_986, %mul3A_989 : vector<16xi32>
        %add3A_991 = arith.constant 15 : i32
        %add3A_992 = vector.broadcast %add3A_991 : i32 to vector<16xi32>
        %add3A_993 = arith.addi %add3A_990, %add3A_992 : vector<16xi32>
        %gather3A_994 = tpu.vector_load_idx %arg5[%add3A_993] : memref<65536xf32, #tpu.memory_space<vmem>>[vector<16xi32>], vector<16xf32>,
        %eq3A_995 = arith.cmpf oeq, %gather3A_994, %max3A_418 : vector<16xf32>
        %convert_element_type3A_996 = arith.sitofp %add3A_993 : vector<16xi32> to vector<16xf32>
        %jit3A_997 = arith.constant 1.07374182E+9 : f32
        %broadcast_in_dim3A_998 = vector.broadcast %jit3A_997 : f32 to vector<16xf32>
        %select_n3A_999 = arith.select %eq3A_995, %convert_element_type3A_996, %broadcast_in_dim3A_998 : vector<16xi1>, vector<16xf32>
        %min3A_1000 = arith.minimumf %min3A_983, %select_n3A_999 : vector<16xf32>
        %xor3A_1001 = arith.constant 1 : i32
        %xor3A_1002 = vector.broadcast %xor3A_1001 : i32 to vector<16xi32>
        %xor3A_1003 = arith.xori %iota3A, %xor3A_1002 : vector<16xi32>
        %broadcast_in_dim3A_1004 = vector.shape_cast %xor3A_1003 : vector<16xi32> to vector<16x1xi32>
        %gather3A_1005 = vector.shape_cast %broadcast_in_dim3A_1004 : vector<16x1xi32> to vector<16xi32>
        %gather3A_1006 = tpu.dynamic_gather %min3A_1000[%gather3A_1005] in [0] : vector<16xf32>, vector<16xi32> -> vector<16xf32>
        %min3A_1007 = arith.minimumf %min3A_1000, %gather3A_1006 : vector<16xf32>
        %xor3A_1008 = arith.constant 2 : i32
        %xor3A_1009 = vector.broadcast %xor3A_1008 : i32 to vector<16xi32>
        %xor3A_1010 = arith.xori %iota3A, %xor3A_1009 : vector<16xi32>
        %broadcast_in_dim3A_1011 = vector.shape_cast %xor3A_1010 : vector<16xi32> to vector<16x1xi32>
        %gather3A_1012 = vector.shape_cast %broadcast_in_dim3A_1011 : vector<16x1xi32> to vector<16xi32>
        %gather3A_1013 = tpu.dynamic_gather %min3A_1007[%gather3A_1012] in [0] : vector<16xf32>, vector<16xi32> -> vector<16xf32>
        %min3A_1014 = arith.minimumf %min3A_1007, %gather3A_1013 : vector<16xf32>
        %xor3A_1015 = arith.constant 4 : i32
        %xor3A_1016 = vector.broadcast %xor3A_1015 : i32 to vector<16xi32>
        %xor3A_1017 = arith.xori %iota3A, %xor3A_1016 : vector<16xi32>
        %broadcast_in_dim3A_1018 = vector.shape_cast %xor3A_1017 : vector<16xi32> to vector<16x1xi32>
        %gather3A_1019 = vector.shape_cast %broadcast_in_dim3A_1018 : vector<16x1xi32> to vector<16xi32>
        %gather3A_1020 = tpu.dynamic_gather %min3A_1014[%gather3A_1019] in [0] : vector<16xf32>, vector<16xi32> -> vector<16xf32>
        %min3A_1021 = arith.minimumf %min3A_1014, %gather3A_1020 : vector<16xf32>
        %xor3A_1022 = arith.constant 8 : i32
        %xor3A_1023 = vector.broadcast %xor3A_1022 : i32 to vector<16xi32>
        %xor3A_1024 = arith.xori %iota3A, %xor3A_1023 : vector<16xi32>
        %broadcast_in_dim3A_1025 = vector.shape_cast %xor3A_1024 : vector<16xi32> to vector<16x1xi32>
        %gather3A_1026 = vector.shape_cast %broadcast_in_dim3A_1025 : vector<16x1xi32> to vector<16xi32>
        %gather3A_1027 = tpu.dynamic_gather %min3A_1021[%gather3A_1026] in [0] : vector<16xf32>, vector<16xi32> -> vector<16xf32>
        %min3A_1028 = arith.minimumf %min3A_1021, %gather3A_1027 : vector<16xf32>
        %convert_element_type3A_1029 = arith.fptosi %min3A_1028 : vector<16xf32> to vector<16xi32>
        %not3A = arith.constant 255 : i32
        %not3A_1030 = arith.constant -1 : i32
        %not3A_1031 = arith.xori %not3A, %not3A_1030 : i32
        %and3A = vector.broadcast %not3A_1031 : i32 to vector<16xi32>
        %and3A_1032 = arith.andi %convert_element_type3A_1029, %and3A : vector<16xi32>
        %and3A_1033 = arith.constant 15 : i32
        %and3A_1034 = vector.broadcast %and3A_1033 : i32 to vector<16xi32>
        %and3A_1035 = arith.andi %convert_element_type3A_1029, %and3A_1034 : vector<16xi32>
        %or3A = arith.ori %and3A_1032, %and3A_1035 : vector<16xi32>
        %mul3A_1036 = arith.constant 16 : i32
        %mul3A_1037 = vector.broadcast %mul3A_1036 : i32 to vector<16xi32>
        %mul3A_1038 = arith.muli %mul3A_1037, %iota3A : vector<16xi32>
        %add3A_1039 = arith.addi %or3A, %mul3A_1038 : vector<16xi32>
        %gather3A_1040 = tpu.vector_load_idx %arg5[%add3A_1039] : memref<65536xf32, #tpu.memory_space<vmem>>[vector<16xi32>], vector<16xf32>,
        %eq3A_1041 = arith.cmpi eq, %add3A_1039, %convert_element_type3A_1029 : vector<16xi32>
        %jit3A_1042 = arith.constant 0xFF800000 : f32
        %broadcast_in_dim3A_1043 = vector.broadcast %jit3A_1042 : f32 to vector<16xf32>
        %select_n3A_1044 = arith.select %eq3A_1041, %broadcast_in_dim3A_1043, %gather3A_1040 : vector<16xi1>, vector<16xf32>
        tpu.vector_store_idx %arg5[%add3A_1039], %select_n3A_1044 : memref<65536xf32, #tpu.memory_space<vmem>>[vector<16xi32>], vector<16xf32>,
        %xor3A_1045 = arith.constant 1 : i32
        %xor3A_1046 = vector.broadcast %xor3A_1045 : i32 to vector<16xi32>
        %xor3A_1047 = arith.xori %iota3A, %xor3A_1046 : vector<16xi32>
        %broadcast_in_dim3A_1048 = vector.shape_cast %xor3A_1047 : vector<16xi32> to vector<16x1xi32>
        %gather3A_1049 = vector.shape_cast %broadcast_in_dim3A_1048 : vector<16x1xi32> to vector<16xi32>
        %gather3A_1050 = tpu.dynamic_gather %select_n3A_1044[%gather3A_1049] in [0] : vector<16xf32>, vector<16xi32> -> vector<16xf32>
        %max3A_1051 = arith.maximumf %select_n3A_1044, %gather3A_1050 : vector<16xf32>
        %xor3A_1052 = arith.constant 2 : i32
        %xor3A_1053 = vector.broadcast %xor3A_1052 : i32 to vector<16xi32>
        %xor3A_1054 = arith.xori %iota3A, %xor3A_1053 : vector<16xi32>
        %broadcast_in_dim3A_1055 = vector.shape_cast %xor3A_1054 : vector<16xi32> to vector<16x1xi32>
        %gather3A_1056 = vector.shape_cast %broadcast_in_dim3A_1055 : vector<16x1xi32> to vector<16xi32>
        %gather3A_1057 = tpu.dynamic_gather %max3A_1051[%gather3A_1056] in [0] : vector<16xf32>, vector<16xi32> -> vector<16xf32>
        %max3A_1058 = arith.maximumf %max3A_1051, %gather3A_1057 : vector<16xf32>
        %xor3A_1059 = arith.constant 4 : i32
        %xor3A_1060 = vector.broadcast %xor3A_1059 : i32 to vector<16xi32>
        %xor3A_1061 = arith.xori %iota3A, %xor3A_1060 : vector<16xi32>
        %broadcast_in_dim3A_1062 = vector.shape_cast %xor3A_1061 : vector<16xi32> to vector<16x1xi32>
        %gather3A_1063 = vector.shape_cast %broadcast_in_dim3A_1062 : vector<16x1xi32> to vector<16xi32>
        %gather3A_1064 = tpu.dynamic_gather %max3A_1058[%gather3A_1063] in [0] : vector<16xf32>, vector<16xi32> -> vector<16xf32>
        %max3A_1065 = arith.maximumf %max3A_1058, %gather3A_1064 : vector<16xf32>
        %xor3A_1066 = arith.constant 8 : i32
        %xor3A_1067 = vector.broadcast %xor3A_1066 : i32 to vector<16xi32>
        %xor3A_1068 = arith.xori %iota3A, %xor3A_1067 : vector<16xi32>
        %broadcast_in_dim3A_1069 = vector.shape_cast %xor3A_1068 : vector<16xi32> to vector<16x1xi32>
        %gather3A_1070 = vector.shape_cast %broadcast_in_dim3A_1069 : vector<16x1xi32> to vector<16xi32>
        %gather3A_1071 = tpu.dynamic_gather %max3A_1065[%gather3A_1070] in [0] : vector<16xf32>, vector<16xi32> -> vector<16xf32>
        %max3A_1072 = arith.maximumf %max3A_1065, %gather3A_1071 : vector<16xf32>
        %and3A_1073 = arith.constant 15 : i32
        %and3A_1074 = vector.broadcast %and3A_1073 : i32 to vector<16xi32>
        %and3A_1075 = arith.andi %convert_element_type3A_1029, %and3A_1074 : vector<16xi32>
        %shift_right_arithmetic3A = arith.constant 8 : i32
        %shift_right_arithmetic3A_1076 = vector.broadcast %shift_right_arithmetic3A : i32 to vector<16xi32>
        %shift_right_arithmetic3A_1077 = arith.shrsi %convert_element_type3A_1029, %shift_right_arithmetic3A_1076 : vector<16xi32>
        %shift_left3A = arith.constant 4 : i32
        %shift_left3A_1078 = vector.broadcast %shift_left3A : i32 to vector<16xi32>
        %shift_left3A_1079 = arith.shli %shift_right_arithmetic3A_1077, %shift_left3A_1078 : vector<16xi32>
        %add3A_1080 = arith.addi %shift_left3A_1079, %iota3A : vector<16xi32>
        %gather3A_1081 = tpu.vector_load_idx %arg6[%add3A_1080] : memref<4096xf32, #tpu.memory_space<vmem>>[vector<16xi32>], vector<16xf32>,
        %eq3A_1082 = arith.cmpi eq, %iota3A, %and3A_1075 : vector<16xi32>
        %select_n3A_1083 = arith.select %eq3A_1082, %max3A_1072, %gather3A_1081 : vector<16xi1>, vector<16xf32>
        tpu.vector_store_idx %arg6[%add3A_1080], %select_n3A_1083 : memref<4096xf32, #tpu.memory_space<vmem>>[vector<16xi32>], vector<16xf32>,
        %shift_right_arithmetic3A_1084 = arith.constant 12 : i32
        %shift_right_arithmetic3A_1085 = vector.broadcast %shift_right_arithmetic3A_1084 : i32 to vector<16xi32>
        %shift_right_arithmetic3A_1086 = arith.shrsi %convert_element_type3A_1029, %shift_right_arithmetic3A_1085 : vector<16xi32>
        %shift_left3A_1087 = arith.constant 8 : i32
        %shift_left3A_1088 = vector.broadcast %shift_left3A_1087 : i32 to vector<16xi32>
        %shift_left3A_1089 = arith.shli %shift_right_arithmetic3A_1086, %shift_left3A_1088 : vector<16xi32>
        %mul3A_1090 = arith.constant 16 : i32
        %mul3A_1091 = vector.broadcast %mul3A_1090 : i32 to vector<16xi32>
        %mul3A_1092 = arith.muli %mul3A_1091, %iota3A : vector<16xi32>
        %add3A_1093 = arith.addi %shift_left3A_1089, %mul3A_1092 : vector<16xi32>
        %add3A_1094 = arith.addi %add3A_1093, %and3A_1075 : vector<16xi32>
        %gather3A_1095 = tpu.vector_load_idx %arg6[%add3A_1094] : memref<4096xf32, #tpu.memory_space<vmem>>[vector<16xi32>], vector<16xf32>,
        %xor3A_1096 = arith.constant 1 : i32
        %xor3A_1097 = vector.broadcast %xor3A_1096 : i32 to vector<16xi32>
        %xor3A_1098 = arith.xori %iota3A, %xor3A_1097 : vector<16xi32>
        %broadcast_in_dim3A_1099 = vector.shape_cast %xor3A_1098 : vector<16xi32> to vector<16x1xi32>
        %gather3A_1100 = vector.shape_cast %broadcast_in_dim3A_1099 : vector<16x1xi32> to vector<16xi32>
        %gather3A_1101 = tpu.dynamic_gather %gather3A_1095[%gather3A_1100] in [0] : vector<16xf32>, vector<16xi32> -> vector<16xf32>
        %max3A_1102 = arith.maximumf %gather3A_1095, %gather3A_1101 : vector<16xf32>
        %xor3A_1103 = arith.constant 2 : i32
        %xor3A_1104 = vector.broadcast %xor3A_1103 : i32 to vector<16xi32>
        %xor3A_1105 = arith.xori %iota3A, %xor3A_1104 : vector<16xi32>
        %broadcast_in_dim3A_1106 = vector.shape_cast %xor3A_1105 : vector<16xi32> to vector<16x1xi32>
        %gather3A_1107 = vector.shape_cast %broadcast_in_dim3A_1106 : vector<16x1xi32> to vector<16xi32>
        %gather3A_1108 = tpu.dynamic_gather %max3A_1102[%gather3A_1107] in [0] : vector<16xf32>, vector<16xi32> -> vector<16xf32>
        %max3A_1109 = arith.maximumf %max3A_1102, %gather3A_1108 : vector<16xf32>
        %xor3A_1110 = arith.constant 4 : i32
        %xor3A_1111 = vector.broadcast %xor3A_1110 : i32 to vector<16xi32>
        %xor3A_1112 = arith.xori %iota3A, %xor3A_1111 : vector<16xi32>
        %broadcast_in_dim3A_1113 = vector.shape_cast %xor3A_1112 : vector<16xi32> to vector<16x1xi32>
        %gather3A_1114 = vector.shape_cast %broadcast_in_dim3A_1113 : vector<16x1xi32> to vector<16xi32>
        %gather3A_1115 = tpu.dynamic_gather %max3A_1109[%gather3A_1114] in [0] : vector<16xf32>, vector<16xi32> -> vector<16xf32>
        %max3A_1116 = arith.maximumf %max3A_1109, %gather3A_1115 : vector<16xf32>
        %xor3A_1117 = arith.constant 8 : i32
        %xor3A_1118 = vector.broadcast %xor3A_1117 : i32 to vector<16xi32>
        %xor3A_1119 = arith.xori %iota3A, %xor3A_1118 : vector<16xi32>
        %broadcast_in_dim3A_1120 = vector.shape_cast %xor3A_1119 : vector<16xi32> to vector<16x1xi32>
        %gather3A_1121 = vector.shape_cast %broadcast_in_dim3A_1120 : vector<16x1xi32> to vector<16xi32>
        %gather3A_1122 = tpu.dynamic_gather %max3A_1116[%gather3A_1121] in [0] : vector<16xf32>, vector<16xi32> -> vector<16xf32>
        %max3A_1123 = arith.maximumf %max3A_1116, %gather3A_1122 : vector<16xf32>
        %shift_right_arithmetic3A_1124 = arith.constant 12 : i32
        %shift_right_arithmetic3A_1125 = vector.broadcast %shift_right_arithmetic3A_1124 : i32 to vector<16xi32>
        %shift_right_arithmetic3A_1126 = arith.shrsi %convert_element_type3A_1029, %shift_right_arithmetic3A_1125 : vector<16xi32>
        %shift_left3A_1127 = arith.constant 4 : i32
        %shift_left3A_1128 = vector.broadcast %shift_left3A_1127 : i32 to vector<16xi32>
        %shift_left3A_1129 = arith.shli %shift_right_arithmetic3A_1126, %shift_left3A_1128 : vector<16xi32>
        %add3A_1130 = arith.addi %shift_left3A_1129, %iota3A : vector<16xi32>
        %gather3A_1131 = tpu.vector_load_idx %arg7[%add3A_1130] : memref<256xf32, #tpu.memory_space<vmem>>[vector<16xi32>], vector<16xf32>,
        %eq3A_1132 = arith.cmpi eq, %iota3A, %and3A_1075 : vector<16xi32>
        %select_n3A_1133 = arith.select %eq3A_1132, %max3A_1123, %gather3A_1131 : vector<16xi1>, vector<16xf32>
        tpu.vector_store_idx %arg7[%add3A_1130], %select_n3A_1133 : memref<256xf32, #tpu.memory_space<vmem>>[vector<16xi32>], vector<16xf32>,
        %jit3A_1134 = arith.constant 256 : i32
        %eq3A_1135 = arith.constant 0 : i32
        %eq3A_1136 = arith.cmpi eq, %jit3A_1134, %eq3A_1135 : i32
        %jit3A_1137 = arith.constant 1 : i32
        %select_n3A_1138 = arith.select %eq3A_1136, %jit3A_1137, %jit3A_1134 : i32
        %rem3A = vector.broadcast %select_n3A_1138 : i32 to vector<16xi32>
        %rem3A_1139 = arith.remsi %convert_element_type3A_1029, %rem3A : vector<16xi32>
        %ne3A = arith.constant 0 : i32
        %ne3A_1140 = vector.broadcast %ne3A : i32 to vector<16xi32>
        %ne3A_1141 = arith.cmpi ne, %rem3A_1139, %ne3A_1140 : vector<16xi32>
        %lt3A = arith.constant 0 : i32
        %lt3A_1142 = vector.broadcast %lt3A : i32 to vector<16xi32>
        %lt3A_1143 = arith.cmpi slt, %rem3A_1139, %lt3A_1142 : vector<16xi32>
        %lt3A_1144 = arith.constant 0 : i32
        %lt3A_1145 = arith.cmpi slt, %select_n3A_1138, %lt3A_1144 : i32
        %ne3A_1146 = vector.broadcast %lt3A_1145 : i1 to vector<16xi1>
        %ne3A_1147 = vector.broadcast %ne3A_1146 : vector<16xi1> to vector<16xi1>
        %ne3A_1148 = arith.xori %lt3A_1143, %ne3A_1147 : vector<16xi1>
        %and3A_1149 = arith.andi %ne3A_1148, %ne3A_1141 : vector<16xi1>
        %add3A_1150 = vector.broadcast %select_n3A_1138 : i32 to vector<16xi32>
        %add3A_1151 = arith.addi %rem3A_1139, %add3A_1150 : vector<16xi32>
        %select_n3A_1152 = arith.select %and3A_1149, %add3A_1151, %rem3A_1139 : vector<16xi1>, vector<16xi32>
        %jit3A_1153 = arith.constant 256 : i32
        %div3A = vector.broadcast %jit3A_1153 : i32 to vector<16xi32>
        %div3A_1154 = arith.divsi %convert_element_type3A_1029, %div3A : vector<16xi32>
        %sign3A = arith.constant 0 : i32
        %sign3A_1155 = vector.broadcast %sign3A : i32 to vector<16xi32>
        %sign3A_1156 = arith.cmpi sgt, %convert_element_type3A_1029, %sign3A_1155 : vector<16xi32>
        %sign3A_1157 = arith.extui %sign3A_1156 : vector<16xi1> to vector<16xi32>
        %sign3A_1158 = arith.constant 0 : i32
        %sign3A_1159 = vector.broadcast %sign3A_1158 : i32 to vector<16xi32>
        %sign3A_1160 = arith.cmpi slt, %convert_element_type3A_1029, %sign3A_1159 : vector<16xi32>
        %sign3A_1161 = arith.extui %sign3A_1160 : vector<16xi1> to vector<16xi32>
        %sign3A_1162 = arith.subi %sign3A_1157, %sign3A_1161 : vector<16xi32>
        %sign3A_1163 = arith.constant 0 : i32
        %sign3A_1164 = arith.cmpi sgt, %jit3A_1153, %sign3A_1163 : i32
        %sign3A_1165 = arith.extui %sign3A_1164 : i1 to i32
        %sign3A_1166 = arith.constant 0 : i32
        %sign3A_1167 = arith.cmpi slt, %jit3A_1153, %sign3A_1166 : i32
        %sign3A_1168 = arith.extui %sign3A_1167 : i1 to i32
        %sign3A_1169 = arith.subi %sign3A_1165, %sign3A_1168 : i32
        %ne3A_1170 = vector.broadcast %sign3A_1169 : i32 to vector<16xi32>
        %ne3A_1171 = arith.cmpi ne, %sign3A_1162, %ne3A_1170 : vector<16xi32>
        %rem3A_1172 = vector.broadcast %jit3A_1153 : i32 to vector<16xi32>
        %rem3A_1173 = arith.remsi %convert_element_type3A_1029, %rem3A_1172 : vector<16xi32>
        %ne3A_1174 = arith.constant 0 : i32
        %ne3A_1175 = vector.broadcast %ne3A_1174 : i32 to vector<16xi32>
        %ne3A_1176 = arith.cmpi ne, %rem3A_1173, %ne3A_1175 : vector<16xi32>
        %and3A_1177 = arith.andi %ne3A_1171, %ne3A_1176 : vector<16xi1>
        %sub3A = arith.constant 1 : i32
        %sub3A_1178 = vector.broadcast %sub3A : i32 to vector<16xi32>
        %sub3A_1179 = arith.subi %div3A_1154, %sub3A_1178 : vector<16xi32>
        %select_n3A_1180 = arith.select %and3A_1177, %sub3A_1179, %div3A_1154 : vector<16xi1>, vector<16xi32>
        %mul3A_1181 = arith.muli %select_n3A_1152, %convert_element_type3A_65 : vector<16xi32>
        %jit3A_1182 = arith.constant 256 : i32
        %div3A_1183 = vector.broadcast %jit3A_1182 : i32 to vector<16xi32>
        %div3A_1184 = arith.divsi %mul3A_1181, %div3A_1183 : vector<16xi32>
        %sign3A_1185 = arith.constant 0 : i32
        %sign3A_1186 = vector.broadcast %sign3A_1185 : i32 to vector<16xi32>
        %sign3A_1187 = arith.cmpi sgt, %mul3A_1181, %sign3A_1186 : vector<16xi32>
        %sign3A_1188 = arith.extui %sign3A_1187 : vector<16xi1> to vector<16xi32>
        %sign3A_1189 = arith.constant 0 : i32
        %sign3A_1190 = vector.broadcast %sign3A_1189 : i32 to vector<16xi32>
        %sign3A_1191 = arith.cmpi slt, %mul3A_1181, %sign3A_1190 : vector<16xi32>
        %sign3A_1192 = arith.extui %sign3A_1191 : vector<16xi1> to vector<16xi32>
        %sign3A_1193 = arith.subi %sign3A_1188, %sign3A_1192 : vector<16xi32>
        %sign3A_1194 = arith.constant 0 : i32
        %sign3A_1195 = arith.cmpi sgt, %jit3A_1182, %sign3A_1194 : i32
        %sign3A_1196 = arith.extui %sign3A_1195 : i1 to i32
        %sign3A_1197 = arith.constant 0 : i32
        %sign3A_1198 = arith.cmpi slt, %jit3A_1182, %sign3A_1197 : i32
        %sign3A_1199 = arith.extui %sign3A_1198 : i1 to i32
        %sign3A_1200 = arith.subi %sign3A_1196, %sign3A_1199 : i32
        %ne3A_1201 = vector.broadcast %sign3A_1200 : i32 to vector<16xi32>
        %ne3A_1202 = arith.cmpi ne, %sign3A_1193, %ne3A_1201 : vector<16xi32>
        %rem3A_1203 = vector.broadcast %jit3A_1182 : i32 to vector<16xi32>
        %rem3A_1204 = arith.remsi %mul3A_1181, %rem3A_1203 : vector<16xi32>
        %ne3A_1205 = arith.constant 0 : i32
        %ne3A_1206 = vector.broadcast %ne3A_1205 : i32 to vector<16xi32>
        %ne3A_1207 = arith.cmpi ne, %rem3A_1204, %ne3A_1206 : vector<16xi32>
        %and3A_1208 = arith.andi %ne3A_1202, %ne3A_1207 : vector<16xi1>
        %sub3A_1209 = arith.constant 1 : i32
        %sub3A_1210 = vector.broadcast %sub3A_1209 : i32 to vector<16xi32>
        %sub3A_1211 = arith.subi %div3A_1184, %sub3A_1210 : vector<16xi32>
        %select_n3A_1212 = arith.select %and3A_1208, %sub3A_1211, %div3A_1184 : vector<16xi1>, vector<16xi32>
        %mul3A_1213 = arith.muli %select_n3A_1180, %convert_element_type3A_29 : vector<16xi32>
        %jit3A_1214 = arith.constant 256 : i32
        %div3A_1215 = vector.broadcast %jit3A_1214 : i32 to vector<16xi32>
        %div3A_1216 = arith.divsi %mul3A_1213, %div3A_1215 : vector<16xi32>
        %sign3A_1217 = arith.constant 0 : i32
        %sign3A_1218 = vector.broadcast %sign3A_1217 : i32 to vector<16xi32>
        %sign3A_1219 = arith.cmpi sgt, %mul3A_1213, %sign3A_1218 : vector<16xi32>
        %sign3A_1220 = arith.extui %sign3A_1219 : vector<16xi1> to vector<16xi32>
        %sign3A_1221 = arith.constant 0 : i32
        %sign3A_1222 = vector.broadcast %sign3A_1221 : i32 to vector<16xi32>
        %sign3A_1223 = arith.cmpi slt, %mul3A_1213, %sign3A_1222 : vector<16xi32>
        %sign3A_1224 = arith.extui %sign3A_1223 : vector<16xi1> to vector<16xi32>
        %sign3A_1225 = arith.subi %sign3A_1220, %sign3A_1224 : vector<16xi32>
        %sign3A_1226 = arith.constant 0 : i32
        %sign3A_1227 = arith.cmpi sgt, %jit3A_1214, %sign3A_1226 : i32
        %sign3A_1228 = arith.extui %sign3A_1227 : i1 to i32
        %sign3A_1229 = arith.constant 0 : i32
        %sign3A_1230 = arith.cmpi slt, %jit3A_1214, %sign3A_1229 : i32
        %sign3A_1231 = arith.extui %sign3A_1230 : i1 to i32
        %sign3A_1232 = arith.subi %sign3A_1228, %sign3A_1231 : i32
        %ne3A_1233 = vector.broadcast %sign3A_1232 : i32 to vector<16xi32>
        %ne3A_1234 = arith.cmpi ne, %sign3A_1225, %ne3A_1233 : vector<16xi32>
        %rem3A_1235 = vector.broadcast %jit3A_1214 : i32 to vector<16xi32>
        %rem3A_1236 = arith.remsi %mul3A_1213, %rem3A_1235 : vector<16xi32>
        %ne3A_1237 = arith.constant 0 : i32
        %ne3A_1238 = vector.broadcast %ne3A_1237 : i32 to vector<16xi32>
        %ne3A_1239 = arith.cmpi ne, %rem3A_1236, %ne3A_1238 : vector<16xi32>
        %and3A_1240 = arith.andi %ne3A_1234, %ne3A_1239 : vector<16xi1>
        %sub3A_1241 = arith.constant 1 : i32
        %sub3A_1242 = vector.broadcast %sub3A_1241 : i32 to vector<16xi32>
        %sub3A_1243 = arith.subi %div3A_1216, %sub3A_1242 : vector<16xi32>
        %select_n3A_1244 = arith.select %and3A_1240, %sub3A_1243, %div3A_1216 : vector<16xi1>, vector<16xi32>
        %mul3A_1245 = arith.constant 2 : i32
        %mul3A_1246 = arith.muli %mul3A_1245, %scan3A_274 : i32
        %eq3A_1247 = vector.broadcast %mul3A_1246 : i32 to vector<16xi32>
        %eq3A_1248 = arith.cmpi eq, %iota3A, %eq3A_1247 : vector<16xi32>
        %select_n3A_1249 = arith.select %eq3A_1248, %select_n3A_1212, %scan3A_275 : vector<16xi1>, vector<16xi32>
        %mul3A_1250 = arith.constant 2 : i32
        %mul3A_1251 = arith.muli %mul3A_1250, %scan3A_274 : i32
        %add3A_1252 = arith.constant 1 : i32
        %add3A_1253 = arith.addi %mul3A_1251, %add3A_1252 : i32
        %eq3A_1254 = vector.broadcast %add3A_1253 : i32 to vector<16xi32>
        %eq3A_1255 = arith.cmpi eq, %iota3A, %eq3A_1254 : vector<16xi32>
        %select_n3A_1256 = arith.select %eq3A_1255, %select_n3A_1244, %select_n3A_1249 : vector<16xi1>, vector<16xi32>
        scf.yield %select_n3A_1256 : vector<16xi32>
      }
      %scan3A_268 = arith.constant 5 : i32
      %mul3A_269 = arith.constant 10 : i32
      %mul3A_270 = arith.muli %scan3A_74, %mul3A_269 : i32
      %add3A_271 = vector.broadcast %mul3A_270 : i32 to vector<16xi32>
      %add3A_272 = arith.addi %add3A_271, %iota3A : vector<16xi32>
      tpu.vector_store_idx %arg9[%add3A_272], %scan3A_267 : memref<56xi32, #tpu.memory_space<vmem>>[vector<16xi32>], vector<16xi32>,
      %scan3A_273 = arith.constant 0 : i32
      scf.yield %scan3A_273 : i32
    }
    %scan3A_71 = arith.constant 4 : i32
    %mul3A_72 = arith.constant 40 : i32
    %mul3A_73 = arith.muli %add3A, %mul3A_72 : i32
    "tpu.region"() ({
      %run_scoped3A = tpu.sem_alloc : memref<!tpu.dma_semaphore, #tpu.memory_space<semaphore_mem>>
      %dma_start3A = arith.constant 0 : i32
      %dma_start3A_74 = tpu.memref_slice %arg9[%dma_start3A] : memref<56xi32, #tpu.memory_space<vmem>> -> memref<40xi32, #tpu.memory_space<vmem>>
      %dma_start3A_75 = tpu.memref_slice %arg4[%mul3A_73] : memref<1280xi32, #tpu.memory_space<hbm>> -> memref<40xi32, #tpu.memory_space<hbm>>
      %dma_start3A_76 = tpu.memref_slice %arg4[%mul3A_73] : memref<1280xi32, #tpu.memory_space<hbm>> -> memref<40xi32, #tpu.memory_space<hbm>>
      %dma_start3A_77 = arith.constant 0 : i32
      %dma_start3A_78 = tpu.memref_slice %arg9[%dma_start3A_77] : memref<56xi32, #tpu.memory_space<vmem>> -> memref<40xi32, #tpu.memory_space<vmem>>
      tpu.enqueue_dma source(%dma_start3A_78 : memref<40xi32, #tpu.memory_space<vmem>>) target(%dma_start3A_76 : memref<40xi32, #tpu.memory_space<hbm>>) target_semaphore(%run_scoped3A : memref<!tpu.dma_semaphore, #tpu.memory_space<semaphore_mem>>)
      %dma_wait3A = arith.constant 0 : i32
      %dma_wait3A_79 = tpu.memref_slice %arg9[%dma_wait3A] : memref<56xi32, #tpu.memory_space<vmem>> -> memref<40xi32, #tpu.memory_space<vmem>>
      %dma_wait3A_80 = tpu.memref_slice %arg4[%mul3A_73] : memref<1280xi32, #tpu.memory_space<hbm>> -> memref<40xi32, #tpu.memory_space<hbm>>
      %dma_wait3A_81 = tpu.memref_slice %arg4[%mul3A_73] : memref<1280xi32, #tpu.memory_space<hbm>> -> memref<40xi32, #tpu.memory_space<hbm>>
      %dma_wait3A_82 = arith.constant 0 : i32
      %dma_wait3A_83 = tpu.memref_slice %arg9[%dma_wait3A_82] : memref<56xi32, #tpu.memory_space<vmem>> -> memref<40xi32, #tpu.memory_space<vmem>>
      tpu.wait_dma2 semaphore(%run_scoped3A : memref<!tpu.dma_semaphore, #tpu.memory_space<semaphore_mem>>) src(%dma_wait3A_83 : memref<40xi32, #tpu.memory_space<vmem>>) dst(%dma_wait3A_81 : memref<40xi32, #tpu.memory_space<hbm>>)
      tpu.yield
    }) : () -> ()
    return
  }
}

</mosaic_0001>

<sc_bundles>
// kernel: kernel.3.cloned.1.call-start
scs
__scs_entry_jumppad:
0x0: {  	(pc) =	sbr.rel $0x88, $3  }
0x1: {  	(tag) =	ssettag $0x0;
	lr =	simm.s32 $0x1  }
0x2: {  	[smem:$0x3F9F] =	sst lr;
	_ =	strace $0xD0000000  }
0x3: {  	_ = 	snop  }
0x4: {  	_ = 	snop  }
0x5: {  	_ = 	snop  }
0x6: {  	_ = 	snop  }
0x7: {  	_ = 	snop  }
__scs_overlays_trampoline_lowered:
0x8: {  	[smem:$0x3FAE] =	sst s0  }
0x9: {  	[smem:$0x3FAF] =	sst s1  }
0xa: {  	[smem:$0x3FB0] =	sst s2  }
0xb: {  	[smem:$0x3FB1] =	sst s3  }
0xc: {  	[smem:$0x3FB2] =	sst s4  }
0xd: {  	[smem:$0x3FB3] =	sst s5  }
0xe: {  	[smem:$0x3FB4] =	sst s6  }
0xf: {  	[smem:$0x3FB5] =	sst s7  }
0x10: {  	[smem:$0x3FB6] =	sst s8  }
0x11: {  	[smem:$0x3FB7] =	sst s9;
	s0 =	simm.s32 @!p0 $0x0  }
0x12: {  	s1 =	sld [smem:$0x3F9D];
	s0 =	simm.s32 @p0 $0x1  }
0x13: {  	[smem:$0x3FB8] =	sst s0;
	s0 =	simm.s32 @!p1 $0x0  }
0x14: {  	s2 =	sld [smem:$0x3F9C];
	s0 =	simm.s32 @p1 $0x1  }
0x15: {  	[smem:$0x3FB9] =	sst s0;
	s0 =	simm.s32 @!p2 $0x0  }
0x16: {  	s3 =	sld [smem:$0x3FDB];
	s0 =	simm.s32 @p2 $0x1  }
0x17: {  	s4 =	simm.s32 $0x1BF5;
	[smem:$0x3FBB] =	sst s0  }
0x18: {  	s0 =	sld [smem:$0x3F9E];
	_ =	swait.ge [sflag:s4], $0x0  }
0x19: {  	s7 =	sld [smem:$0x3F9F]  }
0x1a: {  	s8 =	sadd.s32 $0xFFFFE003, lr  }
0x1b: {  	s9 =	sadd.s32 $0xFFFFFEF7, lr;
	s5 =	simm.s32 $0xFFFFFFFF;
	p2 =	slt.u32 s8, $0xFFFFF086  }
0x1c: {  	p1 =	slt.u32 s9, $0xF7A;
	s5 =	simm.s32 @!p2 $0x0  }
0x1d: {  	s5 =	simm.s32 @p1 $0x1;
	p0 =	seq.s32 s7, s2  }
0x1e: {  	s7 =	smul.u32 @!p0 $0xF7A, s2;
	p2 =	seq.s32 @!p0 s5, $0x0  }
0x1f: {  	s9 =	smul.u32 $0xF7A, s1;
	s8 =	simm.s32 @!p0 $0x1BF5;
	p2 =	por !p2, p0  }
0x20: {  	[sflag:s8] =	ssyncset.s32 @!p0 $0xFFFFF086;
	s6 =	sadd.s32 @!p0 s3, s7;
	s7 =	simm.s32 @!p0 $0x108  }
0x21: {  	s3 =	sadd.s32 s3, s9;
	s6 =	sadd.s32 @!p0 $0x88, s6;
	s7 =	simm.s32 @p2 $0x1082  }
0x22: {  	[simem:s7], [sflag:s8] =	dma.local @!p0 [hbm:s6], $0xF7A  }
0x23: {  	s9 =	sor.u32 $0xD0000000, s2;
	s6 =	simm.s32 $0x108;
	_ =	swait.ge @!p0 [sflag:s8], $0x0  }
0x24: {  	s3 =	sadd.s32 $0x88, s3;
	s6 =	simm.s32 @!p1 $0x1082;
	[sflag:s4] =	ssyncset.s32 $0xFFFFF086  }
0x25: {  	[simem:s6], [sflag:s4] =	dma.local [hbm:s3], $0xF7A  }
0x26: {  	[smem:$0x3F9F] =	sst s1;
	(tag) =	ssettag s2;
	_ =	strace s9  }
0x27: {  	s1 =	sld [smem:$0x3FAF]  }
0x28: {  	s2 =	sld [smem:$0x3FB0]  }
0x29: {  	s4 =	sld [smem:$0x3FB2]  }
0x2a: {  	p0 =	seq.s32 s5, $0x0;
	s5 =	sld [smem:$0x3FB3]  }
0x2b: {  	s6 =	sld [smem:$0x3FB4]  }
0x2c: {  	s7 =	sld [smem:$0x3FB5]  }
0x2d: {  	s3 =	simm.s32 $0x108;
	s8 =	sld [smem:$0x3FB6]  }
0x2e: {  	s3 =	simm.s32 @!p0 $0x1082;
	s9 =	sld [smem:$0x3FB7]  }
0x2f: {  	lr =	sadd.s32 s0, s3;
	s0 =	sld [smem:$0x3FAE]  }
0x30: {  	s3 =	sld [smem:$0x3FB1]  }
0x31: {  	[smem:$0x3FBA] =	sst s10  }
0x32: {  	s10 =	sld [smem:$0x3FB8];
	_ =	sdelay $0x3  }
0x33: {  	p0 =	seq.s32 s10, $0x1;
	s10 =	sld [smem:$0x3FBA];
	_ =	sdelay $0x3  }
0x34: {  	[smem:$0x3FBA] =	sst s10  }
0x35: {  	s10 =	sld [smem:$0x3FB9];
	_ =	sdelay $0x3  }
0x36: {  	p1 =	seq.s32 s10, $0x1;
	s10 =	sld [smem:$0x3FBA];
	_ =	sdelay $0x3  }
0x37: {  	[smem:$0x3FBA] =	sst s10  }
0x38: {  	s10 =	sld [smem:$0x3FBB]  }
0x39: {  	_ = 	snop;
	(pc) =	sbr.ind lr, $3  }
0x3a: {  	_ = 	snop  }
0x3b: {  	_ = 	snop  }
0x3c: {  	p2 =	seq.s32 s10, $0x1;
	s10 =	sld [smem:$0x3FBA]  }
0x3d: {  	_ =	shalt  }
0x3e: {  	_ =	shalt  }
0x3f: {  	_ =	shalt  }
0x40: {  	_ =	shalt  }
0x41: {  	_ =	shalt  }
0x42: {  	_ =	shalt  }
0x43: {  	_ =	shalt  }
0x44: {  	_ =	shalt  }
0x45: {  	_ =	shalt  }
0x46: {  	_ =	shalt  }
0x47: {  	_ =	shalt  }
0x48: {  	_ =	shalt  }
0x49: {  	_ =	shalt  }
0x4a: {  	_ =	shalt  }
0x4b: {  	_ =	shalt  }
0x4c: {  	_ =	shalt  }
0x4d: {  	_ =	shalt  }
0x4e: {  	_ =	shalt  }
0x4f: {  	_ =	shalt  }
0x50: {  	_ =	shalt  }
0x51: {  	_ =	shalt  }
0x52: {  	_ =	shalt  }
0x53: {  	_ =	shalt  }
0x54: {  	_ =	shalt  }
0x55: {  	_ =	shalt  }
0x56: {  	_ =	shalt  }
0x57: {  	_ =	shalt  }
0x58: {  	_ =	shalt  }
0x59: {  	_ =	shalt  }
0x5a: {  	_ =	shalt  }
0x5b: {  	_ =	shalt  }
0x5c: {  	_ =	shalt  }
0x5d: {  	_ =	shalt  }
0x5e: {  	_ =	shalt  }
0x5f: {  	_ =	shalt  }
0x60: {  	_ =	shalt  }
0x61: {  	_ =	shalt  }
0x62: {  	_ =	shalt  }
0x63: {  	_ =	shalt  }
0x64: {  	_ =	shalt  }
0x65: {  	_ =	shalt  }
0x66: {  	_ =	shalt  }
0x67: {  	_ =	shalt  }
0x68: {  	_ =	shalt  }
0x69: {  	_ =	shalt  }
0x6a: {  	_ =	shalt  }
0x6b: {  	_ =	shalt  }
0x6c: {  	_ =	shalt  }
0x6d: {  	_ =	shalt  }
0x6e: {  	_ =	shalt  }
0x6f: {  	_ =	shalt  }
0x70: {  	_ =	shalt  }
0x71: {  	_ =	shalt  }
0x72: {  	_ =	shalt  }
0x73: {  	_ =	shalt  }
0x74: {  	_ =	shalt  }
0x75: {  	_ =	shalt  }
0x76: {  	_ =	shalt  }
0x77: {  	_ =	shalt  }
0x78: {  	_ =	shalt  }
0x79: {  	_ =	shalt  }
0x7a: {  	_ =	shalt  }
0x7b: {  	_ =	shalt  }
0x7c: {  	_ =	shalt  }
0x7d: {  	_ =	shalt  }
0x7e: {  	_ =	shalt  }
0x7f: {  	_ =	shalt  }
0x80: {  	_ =	shalt  }
0x81: {  	_ =	shalt  }
0x82: {  	_ =	shalt  }
0x83: {  	_ =	shalt  }
0x84: {  	_ =	shalt  }
0x85: {  	_ =	shalt  }
0x86: {  	_ =	shalt  }
0x87: {  	_ =	shalt  }
.Lfunc_end0:
.L_simem_size_0:
called_computation_lowered:
.L_overlay_start_0:
0x88: {  	s2 =	sld [smem:$0x3FD9]  }
0x89: {  	s3 =	sld [smem:$0x3FFE];
	_ =	sdelay $0x1  }
0x8a: {  	s1 =	srdreg.scid  }
0x8b: {  	s0 =	sand.u32 $0x1, s1  }
0x8c: {  	s17 =	sshll.u32 s0, $0xA;
	s2 =	sadd.s32 s3, s2  }
0x8d: {  	s2 =	sadd.s32 s2, s17  }
0x8e: {  	[smem:$0x3FC6] =	sst s2  }
0x8f: {  	_ = 	snop  }
0x90: {  	s2 =	sld [smem:$0x3FC9]  }
0x91: {  	s18 =	sld [smem:$0x3FC8];
	(tm) =	ssettm $0x1  }
0x92: {  	s4 =	sld [smem:$0x3FFB];
	_ =	sdelay $0x3  }
0x93: {  	_ =	strace s4  }
0x94: {  	s4 =	sld [smem:$0x3FFC];
	_ =	sdelay $0x3  }
0x95: {  	_ =	strace s4  }
0x96: {  	s4 =	sld [smem:$0x3FFD];
	_ =	sdelay $0x3  }
0x97: {  	_ =	strace s4  }
0x98: {  	_ =	strace $0x8FFFFFFF  }
0x99: {  	s19 =	sld [smem:$0x3FDB];
	_ =	sdelay $0x1  }
0x9a: {  	s5 =	simm.s32 $_scs_section_size  }
0x9b: {  	s6 =	simm.s32 $_size__tile_overlayer_lowered;
	s7 =	simm.s32 $_tile_overlayer_lowered  }
0x9c: {  	s22 =	simm.s32 $0x1BFF;
	s21 =	sshll.u32 s7, $0x1;
	s4 =	sadd.s32 s5, s19  }
0x9d: {  	s8 =	simm.s32 $0x0;
	s20 =	sshll.u32 s6, $0x1;
	s6 =	sadd.s32 s21, s4  }
0x9e: {  	[timem:s8], [sflag:s22] =	dma.local [hbm:s6], s20  }
0x9f: {  	_ =	swait.ge [sflag:s22], s20  }
0xa0: {  	s5 =	ssub.s32 $0x0, s20;
	[sflag:s22] =	ssyncset.done $0x0  }
0xa1: {  	[sflag:s22] =	ssyncadd.s32 s5;
	_ =	sdelay $0x1  }
0xa2: {  	s23 =	simm.s32 $0x1B8B  }
0xa3: {  	_ =	swait.ge [sflag:s23], $0x1  }
0xa4: {  	[sflag:s23] =	ssyncset.done $0x0  }
0xa5: {  	s25 =	simm.s32 $0x1B8E;
	s24 =	sld [smem:$0x3FFE];
	[sflag:s23] =	ssyncadd.s32 $0xFFFFFFFF  }
0xa6: {  	s26 =	simm.s32 $execute0_lowered;
	[smem:$0x3FD2] =	sst s25  }
0xa7: {  	s6 =	sshll.u32 s26, $0x1;
	_ =	strace $0x80000046;
	[dreg:$0x1] =	wrdreg $0xFFFFFFFF  }
0xa8: {  	s28 =	simm.s32 $_size_execute0_lowered;
	s4 =	sadd.s32 s4, s6;
	[dreg:$0x0] =	wrdreg $0x0  }
0xa9: {  	s6 =	sshll.u32 s28, $0x1;
	[dreg:$0x2] =	wrdreg s4  }
0xaa: {  	[dreg:$0x3] =	wrdreg s6  }
0xab: {  	[dreg:$0x4] =	wrdreg $0xC0  }
0xac: {  	_ =	task [dreg:s8], $0x5FFFF  }
0xad: {  	[dreg:$0x1] =	wrdreg $0xFFFFFFFF  }
0xae: {  	[dreg:$0x0] =	wrdreg $0x60  }
0xaf: {  	[dreg:$0x2] =	wrdreg s2  }
0xb0: {  	[dreg:$0x3] =	wrdreg s18  }
0xb1: {  	[dreg:$0x4] =	wrdreg s24  }
0xb2: {  	[dreg:$0x5] =	wrdreg $0x9  }
0xb3: {  	_ =	task.clear_ibuf [dreg:s8], $0x6FFFF;
	_ =	strace $0x90000046  }
0xb4: {  	s29 =	simm.s32 $0x9;
	_ =	strace $0x80000048  }
0xb5: {  	_ =	swait.ge [sflag:s29], $0x1  }
0xb6: {  	[sflag:s29] =	ssyncadd.s32 $0xFFFFFFFF  }
0xb7: {  	_ =	strace $0x90000048  }
0xb8: {  	_ =	sfence  }
0xb9: {  	s30 =	sld [smem:$0x0];
	_ =	sdelay $0x2  }
0xba: {  	s31 =	sshll.u32 s1, $0xD;
	s1 =	sshrl.u32 s1, $0x2  }
0xbb: {  	s3 =	sand.u32 $0x4000, s31;
	s1 =	sadd.s32 s1, s30  }
0xbc: {  	s0 =	sor.u32 s3, s0;
	s1 =	sshll.u32 s1, $0x11  }
0xbd: {  	s0 =	sor.u32 s1, s0  }
0xbe: {  	s0 =	sadd.s32 $0x8F2B, s0  }
0xbf: {  	[sflag:s0] =	ssyncadd.remote.s32 $0x1  }
0xc0: {  	_ =	sfence.sel $0xFFFF  }
0xc1: {  	[dreg:$0x0] =	wrdreg $0xFFFFFFFF;
	(pc) =	sbr.abs _section_cstart, $3  }
0xc2: {  	[dreg:$0x1] =	wrdreg $0xFFFFFFFF  }
0xc3: {  	_ =	task.clear_ibuf [dreg:s8], $0x2FFFF;
	_ =	strace $0x9FFFFFFF  }
0xc4: {  	(tm) =	ssettm $0x7FFFFFFF  }
0xc5: {  	_ =	shalt  }
tec
execute0_lowered:
.L_overlay_start_1:
0x0: {  	(tag) =	ssettag $0x1  }
0x1: {  	v0 =	vimm.s32 $0xEFCDAB89;
	v1 =	vimm.s32 $0x67452301  }
0x2: {  	v2 =	vimm.s32 $0xDCFE98BA;
	v3 =	vimm.s32 $0x54761032;
	v4 =	vimm.s32 $0xBA98FEDC  }
0x3: {  	v5 =	vimm.s32 $0x32107654;
	v6 =	vimm.s32 $0xFEDCBA98;
	v7 =	vimm.s32 $0x76543210  }
0x4: {  	v0 =	vunpack.c.l.s4.s8 v0;
	v1 =	vunpack.c.l.s4.s8 v1;
	v2 =	vunpack.c.l.s4.s8 v2  }
0x5: {  	v3 =	vunpack.c.l.s4.s8 v3;
	v4 =	vunpack.c.l.s4.s8 v4;
	v5 =	vunpack.c.l.s4.s8 v5  }
0x6: {  	v6 =	vunpack.c.l.s4.s8 v6;
	v0 =	vunpack.c.0.s8.s32 v0;
	v1 =	vunpack.c.0.s8.s32 v1  }
0x7: {  	s1 =	srdreg.scid;
	s3 =	stileid.u32;
	v7 =	vunpack.c.l.s4.s8 v7;
	v2 =	vunpack.c.0.s8.s32 v2;
	v3 =	vunpack.c.0.s8.s32 v3  }
0x8: {  	s1 =	sand.u32 $0x1, s1;
	s3 =	sshll.u32 s3, $0x1;
	v4 =	vunpack.c.0.s8.s32 v4;
	v5 =	vunpack.c.0.s8.s32 v5;
	v0 =	vcombine.low v1, v0  }
0x9: {  	s0 =	rddreg [dreg:$0x0];
	s4 =	sor.u32 s1, s3;
	s3 =	simm.s32 $0x0;
	v1 =	vcombine.low v3, v2;
	v2 =	vunpack.c.0.s8.s32 v6;
	v6 =	vlaneseq.u32  }
0xa: {  	[smem:$0x7FF] =	sst s3;
	v3 =	vcombine.low v5, v4;
	v4 =	vunpack.c.0.s8.s32 v7;
	v7 =	vor.u32 $0x60, v6  }
0xb: {  	s2 =	rddreg [dreg:$0x2];
	vm1 =	vcmask $0xB10;
	_ =	strace $0x80000047;
	v11 =	vor.u32 $0x10, v6;
	v21 =	vor.u32 $0x20, v6;
	[tilespmem:$0x1FF00] =	vst v7  }
0xc: {  	v12 =	vor.u32 $0x30, v6;
	v15 =	vor.u32 $0x40, v6;
	v14 =	vor.u32 $0x50, v6;
	[tilespmem:$0x1FF70] =	vst v11  }
0xd: {  	v22 =	vor.u32 $0x70, v6;
	v23 =	vor.u32 $0x80, v6;
	v24 =	vor.u32 $0x90, v6;
	[tilespmem:$0x1FF80] =	vst v21  }
0xe: {  	v25 =	vor.u32 $0xA0, v6;
	v26 =	vor.u32 $0xB0, v6;
	v27 =	vor.u32 $0xC0, v6;
	[tilespmem:$0x1FF90] =	vst v12  }
0xf: {  	v19 =	vmul.u32 $0x10, v6;
	v28 =	vor.u32 $0xD0, v6;
	v29 =	vor.u32 $0xE0, v6;
	[tilespmem:$0x1FFA0] =	vst v15  }
0x10: {  	s25 =	simm.s32 $0x80;
	s30 =	simm.s32 $0x1;
	s31 =	simm.s32 $0x10000;
	v30 =	vor.u32 $0xF0, v6;
	v0 =	vand.u32 $0xF, v0;
	v1 =	vand.u32 $0xF, v1;
	[tilespmem:$0x1FFB0] =	vst v14  }
0x11: {  	s7 =	sadd.s32 $0x810, s0;
	s8 =	sadd.s32 $0xC10, s0;
	s9 =	sadd.s32 $0x1010, s0;
	v5 =	vand.u32 $0xF, v2;
	v2 =	vand.u32 $0xF, v3;
	v7 =	vand.u32 $0x7, v6;
	[tilespmem:$0x1FFC0] =	vst v25  }
0x12: {  	s10 =	sadd.s32 $0x1410, s0;
	s11 =	sadd.s32 $0x1810, s0;
	s12 =	sadd.s32 $0x1C10, s0;
	[tilespmem:$0x1FFD0] =	vst v23;
	v3 =	vcombine.low v5, v4;
	v5 =	vimm.f32 $1.073741820e+09;
	v20 =	vmul.u32 $0x10, v7  }
0x13: {  	s13 =	sadd.s32 $0x2010, s0;
	s14 =	sadd.s32 $0x2410, s0;
	s15 =	sadd.s32 $0x2810, s0;
	[tilespmem:$0x1FFE0] =	vst v24;
	v32 =	vor.u32 $0x1, v19;
	v34 =	vor.u32 $0x2, v19;
	v36 =	vor.u32 $0x3, v19  }
0x14: {  	s16 =	sadd.s32 $0x2C10, s0;
	s17 =	sadd.s32 $0x3010, s0;
	s18 =	sadd.s32 $0x3410, s0;
	[tilespmem:$0x1FFF0] =	vst v22;
	v38 =	vor.u32 $0x4, v19;
	v40 =	vor.u32 $0x5, v19;
	v7 =	vor.u32 $0xFFFFFF89, v20  }
0x15: {  	s19 =	sadd.s32 $0x3810, s0;
	s20 =	sadd.s32 $0x3C10, s0;
	s1 =	ssub.s32 $0x2, s1;
	v42 =	vor.u32 $0x6, v19;
	v44 =	vor.u32 $0x7, v19;
	[tilespmem:$0x1FF10] =	vst v7;
	v7 =	vor.u32 $0xA, v19  }
0x16: {  	s5 =	smul.u32 $0x5, s4;
	s6 =	sshrl.u32 s1, $0x1;
	s4 =	sshll.u32 s4, $0x10;
	v46 =	vor.u32 $0x8, v19;
	v48 =	vor.u32 $0x9, v19;
	[tilespmem:$0x1FF20] =	vst v7;
	v7 =	vor.u32 $0xFFFFFF8A, v20  }
0x17: {  	s1 =	ssub.s32 s1, s6;
	[dreg:$0x4] =	wrdreg s4;
	s6 =	sadd.s32 $0x410, s0;
	v31 =	vor.u32 $0xFFFFFF80, v20;
	v33 =	vor.u32 $0xFFFFFF81, v20;
	[tilespmem:$0x1FF30] =	vst v7;
	v7 =	vor.u32 $0xB, v19  }
0x18: {  	s4 =	simm.s32 $0x2;
	s2 =	sadd.s32 s5, s2;
	s29 =	smax.u32 s1, $0x1;
	v35 =	vor.u32 $0xFFFFFF82, v20;
	v37 =	vor.u32 $0xFFFFFF83, v20;
	[tilespmem:$0x1FF40] =	vst v7;
	v7 =	vor.u32 $0xFFFFFF8B, v20  }
0x19: {  	s5 =	sadd.s32 $0x10, s0;
	s28 =	sadd.s32 $0x400, s2;
	[dreg:$0x6] =	wrdreg s29;
	v39 =	vor.u32 $0xFFFFFF84, v20;
	v41 =	vor.u32 $0xFFFFFF85, v20;
	[tilespmem:$0x1FF50] =	vst v7;
	v7 =	vor.u32 $0xC, v19  }
0x1a: {  	s1 =	simm.s32 $0x0;
	s2 =	simm.s32 $0x11000;
	[dreg:$0x5] =	wrdreg s28;
	v43 =	vor.u32 $0xFFFFFF86, v20;
	v45 =	vor.u32 $0xFFFFFF87, v20;
	v47 =	vor.u32 $0xFFFFFF88, v20;
	[tilespmem:$0x1FF60] =	vst v7  }
.LBB2_1:
0x1b: {  	[dreg:$0x7] =	wrdreg s1  }
0x1c: {  	s0 =	rddreg [dreg:$0x1];
	s29 =	simm.s32 $0x11100  }
0x1d: {  	[tilespmem:s29], [sflag:$0x2] =	stream.linear.gather [hbm4b:s0+s3], $0x4, $0x38;
	[tilespmem:$0x11200] =	vst v63  }
0x1e: {  	_ =	swait.ge [sflag:s4], $0x4  }
0x1f: {  	[sflag:s4] =	ssyncset.done $0x0  }
0x20: {  	[sflag:s4] =	ssyncadd.s32 $0xFFFFFFFC  }
0x21: {  	v7 =	vld [tilespmem:$0x11100];
	_ =	sdelay $0x3  }
0x22: {  	vm0 =	vcmask $0x70C  }
0x23: {  	v8 =	vsel vm0, $0x0, v7  }
0x24: {  	v7 =	vsel vm1, $0x0, v7;
	v8 =	vcvt.s32.f32 v8  }
0x25: {  	v7 =	vcvt.s32.f32 v7  }
0x26: {  	v49 =	vperm.xlane v8, v0  }
0x27: {  	v50 =	vperm.xlane v7, v0  }
0x28: {  	v8 =	vmax.f32 v8, v49  }
0x29: {  	v7 =	vmax.f32 v7, v50;
	v49 =	vperm.xlane v8, v1  }
0x2a: {  	v50 =	vperm.xlane v7, v1  }
0x2b: {  	v8 =	vmax.f32 v8, v49  }
0x2c: {  	v7 =	vmax.f32 v7, v50;
	v49 =	vperm.xlane v8, v2  }
0x2d: {  	v50 =	vperm.xlane v7, v2  }
0x2e: {  	v8 =	vmax.f32 v8, v49  }
0x2f: {  	v7 =	vmax.f32 v7, v50;
	v49 =	vperm.xlane v8, v3  }
0x30: {  	v50 =	vperm.xlane v7, v3  }
0x31: {  	v8 =	vmax.f32 v8, v49  }
0x32: {  	v7 =	vmax.f32 v7, v50;
	v8 =	vtrunc.f32 v8  }
0x33: {  	v7 =	vtrunc.f32 v7;
	v63 =	vcvt.f32.s32 v8  }
0x34: {  	v4 =	vcvt.f32.s32 v7  }
0x35: {  	[tilespmem:$0x1FEE0] =	vst v63  }
0x36: {  	s0 =	simm.s32 $0x0;
	[tilespmem:$0x1FEF0] =	vst v4  }
.LBB2_2:
0x37: {  	s1 =	sshll.u32 s0, $0xE;
	s4 =	rddreg [dreg:$0x4]  }
0x38: {  	s1 =	sadd.s32 s4, s1  }
0x39: {  	s23 =	simm.s32 $0x100;
	s21 =	simm.s32 $0x0;
	s4 =	sadd.s32 s1, s5  }
0x3a: {  	[tilespmem:s21], [sflag:$0x1] =	stream.strided.gather [hbm4b:s4+s25], $0x1000, s23, s25, $0x38;
	[tilespmem:$0x11200] =	vst v63  }
0x3b: {  	s22 =	simm.s32 $0x1000;
	s26 =	sadd.s32 s1, s6  }
0x3c: {  	[tilespmem:s22], [sflag:$0x1] =	stream.strided.gather [hbm4b:s26+s25], $0x1000, s23, s25, $0x38;
	[tilespmem:$0x11200] =	vst v63  }
0x3d: {  	s29 =	simm.s32 $0x2000;
	s28 =	sadd.s32 s1, s7  }
0x3e: {  	[tilespmem:s29], [sflag:$0x1] =	stream.strided.gather [hbm4b:s28+s25], $0x1000, s23, s25, $0x38;
	[tilespmem:$0x11200] =	vst v63  }
0x3f: {  	s24 =	sadd.s32 s1, s8;
	s26 =	simm.s32 $0x3000  }
0x40: {  	[tilespmem:s26], [sflag:$0x1] =	stream.strided.gather [hbm4b:s24+s25], $0x1000, s23, s25, $0x38;
	[tilespmem:$0x11200] =	vst v63  }
0x41: {  	s28 =	sadd.s32 s1, s9;
	s29 =	simm.s32 $0x4000  }
0x42: {  	[tilespmem:s29], [sflag:$0x1] =	stream.strided.gather [hbm4b:s28+s25], $0x1000, s23, s25, $0x38;
	[tilespmem:$0x11200] =	vst v63  }
0x43: {  	s24 =	sadd.s32 s1, s10;
	s26 =	simm.s32 $0x5000  }
0x44: {  	[tilespmem:s26], [sflag:$0x1] =	stream.strided.gather [hbm4b:s24+s25], $0x1000, s23, s25, $0x38;
	[tilespmem:$0x11200] =	vst v63  }
0x45: {  	s28 =	sadd.s32 s1, s11;
	s29 =	simm.s32 $0x6000  }
0x46: {  	[tilespmem:s29], [sflag:$0x1] =	stream.strided.gather [hbm4b:s28+s25], $0x1000, s23, s25, $0x38;
	[tilespmem:$0x11200] =	vst v63  }
0x47: {  	s24 =	sadd.s32 s1, s12;
	s26 =	simm.s32 $0x7000  }
0x48: {  	[tilespmem:s26], [sflag:$0x1] =	stream.strided.gather [hbm4b:s24+s25], $0x1000, s23, s25, $0x38;
	[tilespmem:$0x11200] =	vst v63  }
0x49: {  	s28 =	sadd.s32 s1, s13;
	s29 =	simm.s32 $0x8000  }
0x4a: {  	[tilespmem:s29], [sflag:$0x1] =	stream.strided.gather [hbm4b:s28+s25], $0x1000, s23, s25, $0x38;
	[tilespmem:$0x11200] =	vst v63  }
0x4b: {  	s24 =	sadd.s32 s1, s14;
	s26 =	simm.s32 $0x9000  }
0x4c: {  	[tilespmem:s26], [sflag:$0x1] =	stream.strided.gather [hbm4b:s24+s25], $0x1000, s23, s25, $0x38;
	[tilespmem:$0x11200] =	vst v63  }
0x4d: {  	s28 =	sadd.s32 s1, s15;
	s29 =	simm.s32 $0xA000  }
0x4e: {  	[tilespmem:s29], [sflag:$0x1] =	stream.strided.gather [hbm4b:s28+s25], $0x1000, s23, s25, $0x38;
	[tilespmem:$0x11200] =	vst v63  }
0x4f: {  	s24 =	sadd.s32 s1, s16;
	s26 =	simm.s32 $0xB000  }
0x50: {  	[tilespmem:s26], [sflag:$0x1] =	stream.strided.gather [hbm4b:s24+s25], $0x1000, s23, s25, $0x38;
	[tilespmem:$0x11200] =	vst v63  }
0x51: {  	s28 =	sadd.s32 s1, s17;
	s29 =	simm.s32 $0xC000  }
0x52: {  	[tilespmem:s29], [sflag:$0x1] =	stream.strided.gather [hbm4b:s28+s25], $0x1000, s23, s25, $0x38;
	[tilespmem:$0x11200] =	vst v63  }
0x53: {  	s22 =	sadd.s32 s1, s18;
	s24 =	simm.s32 $0xD000  }
0x54: {  	[tilespmem:s24], [sflag:$0x1] =	stream.strided.gather [hbm4b:s22+s25], $0x1000, s23, s25, $0x38;
	[tilespmem:$0x11200] =	vst v63  }
0x55: {  	s26 =	sadd.s32 s1, s19;
	s28 =	simm.s32 $0xE000  }
0x56: {  	[tilespmem:s28], [sflag:$0x1] =	stream.strided.gather [hbm4b:s26+s25], $0x1000, s23, s25, $0x38;
	[tilespmem:$0x11200] =	vst v63  }
0x57: {  	s4 =	simm.s32 $0x10010;
	s1 =	sadd.s32 s1, s20;
	s29 =	simm.s32 $0xF000  }
0x58: {  	[tilespmem:s29], [sflag:$0x1] =	stream.strided.gather [hbm4b:s1+s25], $0x1000, s23, s25, $0x38;
	[tilespmem:$0x11200] =	vst v63  }
.LBB2_3:
0x59: {  	_ =	swait.ge [sflag:s30], $0x1000  }
0x5a: {  	[sflag:s30] =	ssyncset.done $0x0  }
0x5b: {  	[sflag:s30] =	ssyncadd.s32 $0xFFFFF000  }
0x5c: {  	v7 =	vld [tilespmem:s23+$0x70]  }
0x5d: {  	v50 =	vld [tilespmem:s23+$0xF0]  }
0x5e: {  	v51 =	vld [tilespmem:s23+$0xE0]  }
0x5f: {  	v52 =	vld [tilespmem:s23+$0xD0]  }
0x60: {  	v53 =	vld [tilespmem:s23+$0xC0]  }
0x61: {  	v60 =	vld [tilespmem:s23+$0x0]  }
0x62: {  	v59 =	vld [tilespmem:s23+$0xFFFFFF10]  }
0x63: {  	v61 =	vld [tilespmem:s23+$0xFFFFFF20]  }
0x64: {  	v62 =	vld [tilespmem:s23+$0xFFFFFF30]  }
0x65: {  	v55 =	vld [tilespmem:s23+$0xFFFFFF40]  }
0x66: {  	v57 =	vld [tilespmem:s23+$0xFFFFFF50]  }
0x67: {  	v56 =	vld [tilespmem:s23+$0xFFFFFF60]  }
0x68: {  	v58 =	vld [tilespmem:s23+$0xFFFFFF70]  }
0x69: {  	v54 =	vld [tilespmem:s23+$0xFFFFFF80]  }
0x6a: {  	v63 =	vld [tilespmem:s23+$0xFFFFFF90]  }
0x6b: {  	v8 =	vld [tilespmem:s23+$0xB0]  }
0x6c: {  	v9 =	vld [tilespmem:s23+$0x40]  }
0x6d: {  	v10 =	vld [tilespmem:s23+$0xA0]  }
0x6e: {  	v11 =	vld [tilespmem:s23+$0x50]  }
0x6f: {  	v12 =	vld [tilespmem:s23+$0x60]  }
0x70: {  	v13 =	vld [tilespmem:s23+$0xFFFFFFC0]  }
0x71: {  	v14 =	vld [tilespmem:s23+$0xFFFFFFD0]  }
0x72: {  	v15 =	vld [tilespmem:s23+$0xFFFFFFE0]  }
0x73: {  	v16 =	vld [tilespmem:s23+$0xFFFFFFF0]  }
0x74: {  	s24 =	sshll.u32 s21, $0x4;
	v17 =	vld [tilespmem:s23+$0xFFFFFF00]  }
0x75: {  	s26 =	sadd.s32 $0x10, s24;
	s28 =	sadd.s32 $0x2, s24;
	v18 =	vld [tilespmem:s23+$0x10];
	v51 =	vmax.f32 v51, v50  }
0x76: {  	p0 =	slt.u32 s28, s26;
	v52 =	vmax.f32 v53, v52;
	v54 =	vmax.f32 v54, v63;
	v58 =	vmax.f32 v56, v58;
	v56 =	vld [tilespmem:s23+$0x20]  }
.Ltmp0:
0x77: {  	v53 =	vmax.f32 v10, v8;
	v8 =	vmax.f32 v9, v11;
	v63 =	vmax.f32 v55, v57;
	v57 =	vld [tilespmem:s23+$0x30];
	(pc) =	sbr.rel @!p0 .LBB2_5-.Ltmp0, $4  }
0x78: {  	v7 =	vmax.f32 v12, v7;
	v50 =	vimm.f32 $-Inf;
	v9 =	vmax.f32 v63, v58;
	v58 =	vld [tilespmem:s23+$0x90]  }
0x79: {  	v55 =	vmax.f32 v8, v7;
	v7 =	vmax.f32 v61, v62;
	v61 =	vld [tilespmem:s23+$0xFFFFFFA0];
	v8 =	vmax.f32 v17, v59  }
0x7a: {  	v49 =	vmax.f32 v13, v14;
	v59 =	vmax.f32 v15, v16;
	v63 =	vld [tilespmem:s23+$0xFFFFFFB0];
	v7 =	vmax.f32 v8, v7  }
0x7b: {  	s1 =	sadd.s32 $0x200, s23;
	s29 =	smov.u32 s4;
	s22 =	smov.u32 s4;
	v62 =	vmax.f32 v60, v18;
	v59 =	vmax.f32 v49, v59;
	v60 =	vmax.f32 v7, v9;
	v7 =	vld [tilespmem:s23+$0x80]  }
.LBB2_4:
0x7c: {  	v8 =	vld [tilespmem:s1+$0x70];
	s28 =	sadd.s32 $0x2, s28;
	s29 =	sadd.s32 $0x20, s29  }
0x7d: {  	v9 =	vld [tilespmem:s1+$0xF0];
	p0 =	slt.u32 s28, s26  }
0x7e: {  	v10 =	vld [tilespmem:s1+$0xE0]  }
0x7f: {  	v13 =	vmax.f32 v56, v57;
	v14 =	vmax.f32 v52, v51;
	v11 =	vld [tilespmem:s1+$0xD0];
	v12 =	vmax.f32 v61, v63  }
0x80: {  	v13 =	vmax.f32 v62, v13;
	v15 =	vld [tilespmem:s1+$0xC0];
	v12 =	vmax.f32 v54, v12;
	v7 =	vmax.f32 v7, v58  }
0x81: {  	v13 =	vmax.f32 v13, v55;
	v16 =	vld [tilespmem:s1+$0x0];
	v12 =	vmax.f32 v12, v59;
	v7 =	vmax.f32 v7, v53  }
0x82: {  	v17 =	vld [tilespmem:s1+$0xFFFFFF10];
	v12 =	vmax.f32 v60, v12;
	v7 =	vmax.f32 v7, v14  }
0x83: {  	v14 =	vld [tilespmem:s1+$0xFFFFFF20];
	v51 =	vmax.f32 v10, v9;
	[tilespmem:s22+$0xFFFFFFF0] =	vst v12;
	v9 =	vmax.f32 v50, v12;
	v7 =	vmax.f32 v13, v7  }
0x84: {  	v10 =	vld [tilespmem:s1+$0xFFFFFF30];
	[tilespmem:s22+$0x0] =	vst v7;
	v50 =	vmax.f32 v9, v7;
	s22 =	smov.u32 s29  }
0x85: {  	v7 =	vld [tilespmem:s1+$0xFFFFFF40];
	v52 =	vmax.f32 v15, v11  }
0x86: {  	v9 =	vld [tilespmem:s1+$0xFFFFFF50]  }
0x87: {  	v11 =	vld [tilespmem:s1+$0xFFFFFF60]  }
0x88: {  	v12 =	vld [tilespmem:s1+$0xFFFFFF70]  }
0x89: {  	v13 =	vld [tilespmem:s1+$0xFFFFFF80]  }
0x8a: {  	v15 =	vld [tilespmem:s1+$0xFFFFFF90]  }
0x8b: {  	v18 =	vld [tilespmem:s1+$0xB0]  }
0x8c: {  	v55 =	vld [tilespmem:s1+$0x40]  }
0x8d: {  	v53 =	vld [tilespmem:s1+$0xA0]  }
0x8e: {  	v56 =	vld [tilespmem:s1+$0x50]  }
0x8f: {  	v57 =	vld [tilespmem:s1+$0x60]  }
0x90: {  	v54 =	vmax.f32 v13, v15;
	v58 =	vld [tilespmem:s1+$0xFFFFFFC0]  }
0x91: {  	v13 =	vld [tilespmem:s1+$0xFFFFFFD0]  }
0x92: {  	v11 =	vmax.f32 v11, v12;
	v15 =	vld [tilespmem:s1+$0xFFFFFFE0];
	v53 =	vmax.f32 v53, v18  }
0x93: {  	v12 =	vld [tilespmem:s1+$0xFFFFFFF0];
	v18 =	vmax.f32 v55, v56  }
0x94: {  	v7 =	vmax.f32 v7, v9;
	v59 =	vld [tilespmem:s1+$0xFFFFFF00];
	v8 =	vmax.f32 v57, v8  }
0x95: {  	v7 =	vmax.f32 v7, v11;
	v9 =	vld [tilespmem:s1+$0x10];
	v55 =	vmax.f32 v18, v8  }
0x96: {  	v8 =	vmax.f32 v14, v10;
	v10 =	vmax.f32 v58, v13;
	v56 =	vld [tilespmem:s1+$0x20]  }
.Ltmp1:
0x97: {  	v57 =	vld [tilespmem:s1+$0x30];
	(pc) =	sbr.rel @p0 .LBB2_4-.Ltmp1, $4  }
0x98: {  	v11 =	vmax.f32 v15, v12;
	v58 =	vld [tilespmem:s1+$0x90]  }
0x99: {  	v61 =	vld [tilespmem:s1+$0xFFFFFFA0];
	v12 =	vmax.f32 v59, v17;
	v59 =	vmax.f32 v10, v11  }
0x9a: {  	v63 =	vld [tilespmem:s1+$0xFFFFFFB0];
	v8 =	vmax.f32 v12, v8;
	v62 =	vmax.f32 v16, v9  }
0x9b: {  	v60 =	vmax.f32 v8, v7;
	v7 =	vld [tilespmem:s1+$0x80];
	s1 =	sadd.s32 $0x200, s1  }
.LBB2_5:
0x9c: {  	_ =	sdelay $0x2  }
0x9d: {  	v9 =	vmax.f32 v56, v57;
	s21 =	sadd.s32 $0x1, s21;
	v8 =	vmax.f32 v61, v63  }
0x9e: {  	v10 =	vmax.f32 v52, v51;
	p0 =	sne.s32 s21, $0x10;
	v8 =	vmax.f32 v54, v8;
	v7 =	vmax.f32 v7, v58  }
.Ltmp2:
0x9f: {  	v9 =	vmax.f32 v62, v9;
	v8 =	vmax.f32 v8, v59;
	v7 =	vmax.f32 v7, v53;
	(pc) =	sbr.rel @p0 .LBB2_3-.Ltmp2, $4  }
0xa0: {  	v9 =	vmax.f32 v9, v55;
	v8 =	vmax.f32 v60, v8;
	v7 =	vmax.f32 v7, v10  }
0xa1: {  	[tilespmem:s22+$0xFFFFFFF0] =	vst v8;
	v8 =	vmax.f32 v50, v8;
	v7 =	vmax.f32 v9, v7  }
0xa2: {  	[tilespmem:s22+$0x0] =	vst v7;
	v7 =	vmax.f32 v8, v7  }
0xa3: {  	s4 =	sadd.s32 $0x100, s4;
	s23 =	sadd.s32 $0x1000, s23;
	[tilespmem:s24+$0x11000] =	vst v7  }
0xa4: {  	v11 =	vld [tilespmem:$0x1FF70]  }
0xa5: {  	v21 =	vld [tilespmem:$0x1FF80]  }
0xa6: {  	v12 =	vld [tilespmem:$0x1FF90]  }
0xa7: {  	v15 =	vld [tilespmem:$0x1FFA0]  }
0xa8: {  	v14 =	vld [tilespmem:$0x1FFB0]  }
0xa9: {  	v25 =	vld [tilespmem:$0x1FF10]  }
0xaa: {  	v59 =	vld [tilespmem:$0x1FF20]  }
0xab: {  	v60 =	vld [tilespmem:$0x1FF30]  }
0xac: {  	v61 =	vld [tilespmem:$0x1FF40]  }
0xad: {  	v62 =	vld [tilespmem:$0x1FF50]  }
0xae: {  	v50 =	vimm.s32 $0x0;
	s23 =	simm.s32 $0x1;
	v63 =	vld [tilespmem:$0x1FF60];
	v13 =	vimm.s32 $0x0  }
.LBB2_7:
0xaf: {  	v7 =	vld [tilespmem:$0x11000];
	_ =	sdelay $0x1  }
0xb0: {  	v8 =	vld [tilespmem:$0x11010];
	_ =	sdelay $0x1  }
0xb1: {  	v9 =	vld [tilespmem:$0x11020]  }
0xb2: {  	vm2 =	vgt.f32 v7, $-Inf  }
0xb3: {  	v10 =	vld [tilespmem:$0x11030];
	v7 =	vnsel vm2, $0xFF800000, v7  }
0xb4: {  	vm2 =	vgt.f32 v8, v7  }
0xb5: {  	v7 =	vsel vm2, v8, v7;
	v8 =	vld [tilespmem:$0x11040]  }
0xb6: {  	vm3 =	vgt.f32 v9, v7  }
0xb7: {  	v7 =	vsel vm3, v9, v7;
	v9 =	vld [tilespmem:$0x11050]  }
0xb8: {  	vm4 =	vgt.f32 v10, v7  }
0xb9: {  	v7 =	vsel vm4, v10, v7;
	v10 =	vld [tilespmem:$0x11060]  }
0xba: {  	vm5 =	vgt.f32 v8, v7  }
0xbb: {  	v7 =	vsel vm5, v8, v7;
	v8 =	vld [tilespmem:$0x11070]  }
0xbc: {  	vm6 =	vgt.f32 v9, v7  }
0xbd: {  	v7 =	vsel vm6, v9, v7;
	v9 =	vld [tilespmem:$0x11080]  }
0xbe: {  	vm7 =	vgt.f32 v10, v7  }
0xbf: {  	v7 =	vsel vm7, v10, v7;
	v10 =	vld [tilespmem:$0x11090]  }
0xc0: {  	vm8 =	vgt.f32 v8, v7  }
0xc1: {  	v7 =	vsel vm8, v8, v7;
	v8 =	vld [tilespmem:$0x110A0]  }
0xc2: {  	vm9 =	vgt.f32 v9, v7  }
0xc3: {  	v7 =	vsel vm9, v9, v7;
	v9 =	vld [tilespmem:$0x110B0]  }
0xc4: {  	vm10 =	vgt.f32 v10, v7  }
0xc5: {  	v7 =	vsel vm10, v10, v7;
	v10 =	vld [tilespmem:$0x110C0]  }
0xc6: {  	vm11 =	vgt.f32 v8, v7  }
0xc7: {  	v7 =	vsel vm11, v8, v7;
	v8 =	vld [tilespmem:$0x110D0]  }
0xc8: {  	vm12 =	vgt.f32 v9, v7  }
0xc9: {  	v7 =	vsel vm12, v9, v7;
	v9 =	vld [tilespmem:$0x110E0]  }
0xca: {  	vm13 =	vgt.f32 v10, v7  }
0xcb: {  	v7 =	vsel vm13, v10, v7;
	v10 =	vld [tilespmem:$0x110F0]  }
0xcc: {  	vm14 =	vgt.f32 v8, v7  }
0xcd: {  	v7 =	vsel vm14, v8, v7  }
0xce: {  	vm15 =	vgt.f32 v9, v7  }
0xcf: {  	v7 =	vsel vm15, v9, v7  }
0xd0: {  	v8 =	vsel vm2, $0x3F800000, v13;
	vm0 =	vgt.f32 v10, v7  }
0xd1: {  	v8 =	vsel vm3, $0x40000000, v8;
	v7 =	vsel vm0, v10, v7  }
0xd2: {  	v8 =	vsel vm4, $0x40400000, v8;
	v9 =	vperm.xlane v7, v0  }
0xd3: {  	v8 =	vsel vm5, $0x40800000, v8  }
0xd4: {  	v8 =	vsel vm6, $0x40A00000, v8;
	v9 =	vmax.f32 v7, v9  }
0xd5: {  	v8 =	vsel vm7, $0x40C00000, v8;
	v10 =	vperm.xlane v9, v1  }
0xd6: {  	v8 =	vsel vm8, $0x40E00000, v8  }
0xd7: {  	v8 =	vsel vm9, $0x41000000, v8;
	v9 =	vmax.f32 v9, v10  }
0xd8: {  	v8 =	vsel vm10, $0x41100000, v8;
	v10 =	vperm.xlane v9, v2  }
0xd9: {  	v8 =	vsel vm11, $0x41200000, v8  }
0xda: {  	v8 =	vsel vm12, $0x41300000, v8;
	v9 =	vmax.f32 v9, v10  }
0xdb: {  	v8 =	vsel vm13, $0x41400000, v8;
	v10 =	vperm.xlane v9, v3  }
0xdc: {  	v8 =	vsel vm14, $0x41500000, v8  }
0xdd: {  	v8 =	vsel vm15, $0x41600000, v8;
	v51 =	vmax.f32 v9, v10  }
0xde: {  	vm2 =	veq.f32 v7, v51;
	v7 =	vsel vm0, $0x41700000, v8  }
0xdf: {  	v7 =	vnsel vm2, $0x4E800000, v7  }
0xe0: {  	v8 =	vperm.xlane v7, v0;
	_ =	sdelay $0x1  }
0xe1: {  	v7 =	vmin.f32 v7, v8  }
0xe2: {  	v8 =	vperm.xlane v7, v1;
	_ =	sdelay $0x1  }
0xe3: {  	v7 =	vmin.f32 v7, v8  }
0xe4: {  	v8 =	vperm.xlane v7, v2;
	_ =	sdelay $0x1  }
0xe5: {  	v7 =	vmin.f32 v7, v8  }
0xe6: {  	v8 =	vperm.xlane v7, v3;
	_ =	sdelay $0x1  }
0xe7: {  	v7 =	vmin.f32 v7, v8  }
0xe8: {  	v7 =	vtrunc.f32 v7  }
0xe9: {  	v7 =	vcvt.f32.s32 v7;
	_ =	sdelay $0x1  }
0xea: {  	v8 =	vshll.u32 v7, $0x8  }
0xeb: {  	v10 =	vor.u32 v11, v8;
	_ =	sdelay $0x3  }
0xec: {  	v9 =	vor.u32 v6, v8  }
0xed: {  	v10 =	vld.idx.msk [tilespmem:v10+s31+$0x0], $0xffff  }
0xee: {  	v16 =	vld [tilespmem:$0x1FFF0]  }
0xef: {  	v4 =	vmovc v11;
	v24 =	vmov v15;
	v11 =	vor.u32 v21, v8;
	v13 =	vor.u32 v15, v8;
	v15 =	vld [tilespmem:$0x1FF00]  }
0xf0: {  	v22 =	vmov v12;
	v17 =	vld [tilespmem:$0x1FFD0];
	v12 =	vor.u32 v12, v8  }
0xf1: {  	v9 =	vld.idx.msk [tilespmem:v9+s31+$0x0], $0xffff  }
0xf2: {  	vm2 =	veq.f32 v10, v51;
	v10 =	vld [tilespmem:$0x1FFE0]  }
0xf3: {  	v23 =	vmov v14;
	v52 =	vld [tilespmem:$0x1FFC0];
	v14 =	vor.u32 v14, v8  }
0xf4: {  	v11 =	vld.idx.msk [tilespmem:v11+s31+$0x0], $0xffff;
	v15 =	vor.u32 v15, v8  }
0xf5: {  	v16 =	vor.u32 v16, v8;
	v12 =	vld.idx.msk [tilespmem:v12+s31+$0x0], $0xffff  }
0xf6: {  	v17 =	vor.u32 v17, v8  }
0xf7: {  	vm0 =	veq.f32 v9, v51;
	v9 =	vld.idx.msk [tilespmem:v13+s31+$0x0], $0xffff;
	v10 =	vor.u32 v10, v8  }
0xf8: {  	v52 =	vor.u32 v52, v8;
	v14 =	vld.idx.msk [tilespmem:v14+s31+$0x0], $0xffff;
	v13 =	vsel vm0, $0x0, v5;
	v18 =	vsel vm2, $0x3F800000, v5  }
0xf9: {  	vm0 =	veq.f32 v11, v51;
	v11 =	vld.idx.msk [tilespmem:v15+s31+$0x0], $0xffff;
	v15 =	vor.u32 v26, v8;
	v13 =	vmin.f32 v13, v18  }
0xfa: {  	v18 =	vsel vm0, $0x40000000, v5;
	vm0 =	veq.f32 v12, v51;
	v12 =	vld.idx.msk [tilespmem:v16+s31+$0x0], $0xffff;
	v16 =	vor.u32 v27, v8  }
0xfb: {  	v53 =	vor.u32 v28, v8;
	v17 =	vld.idx.msk [tilespmem:v17+s31+$0x0], $0xffff;
	v13 =	vmin.f32 v13, v18;
	v18 =	vsel vm0, $0x40400000, v5  }
0xfc: {  	v13 =	vmin.f32 v13, v18;
	vm0 =	veq.f32 v9, v51;
	v9 =	vld.idx.msk [tilespmem:v10+s31+$0x0], $0xffff;
	v10 =	vor.u32 v29, v8  }
0xfd: {  	v18 =	vsel vm0, $0x40800000, v5;
	vm0 =	veq.f32 v14, v51;
	v14 =	vld.idx.msk [tilespmem:v52+s31+$0x0], $0xffff;
	v8 =	vor.u32 v30, v8  }
0xfe: {  	v13 =	vmin.f32 v13, v18;
	v18 =	vsel vm0, $0x40A00000, v5;
	vm0 =	veq.f32 v11, v51;
	v11 =	vld.idx.msk [tilespmem:v15+s31+$0x0], $0xffff  }
0xff: {  	v13 =	vmin.f32 v13, v18;
	v15 =	vsel vm0, $0x40C00000, v5;
	vm0 =	veq.f32 v12, v51;
	v12 =	vld.idx.msk [tilespmem:v16+s31+$0x0], $0xffff  }
0x100: {  	v16 =	vld.idx.msk [tilespmem:v53+s31+$0x0], $0xffff;
	v13 =	vmin.f32 v13, v15;
	v15 =	vsel vm0, $0x40E00000, v5;
	vm0 =	veq.f32 v17, v51  }
0x101: {  	v13 =	vmin.f32 v13, v15;
	v15 =	vsel vm0, $0x41000000, v5;
	vm0 =	veq.f32 v9, v51;
	v9 =	vld.idx.msk [tilespmem:v10+s31+$0x0], $0xffff  }
0x102: {  	v10 =	vmin.f32 v13, v15;
	v8 =	vld.idx.msk [tilespmem:v8+s31+$0x0], $0xffff;
	v13 =	vsel vm0, $0x41100000, v5;
	vm0 =	veq.f32 v14, v51  }
0x103: {  	v10 =	vmin.f32 v10, v13;
	v13 =	vsel vm0, $0x41200000, v5;
	vm0 =	veq.f32 v11, v51  }
0x104: {  	v10 =	vmin.f32 v10, v13;
	v11 =	vsel vm0, $0x41300000, v5;
	vm0 =	veq.f32 v12, v51  }
0x105: {  	v10 =	vmin.f32 v10, v11;
	v11 =	vsel vm0, $0x41400000, v5;
	vm0 =	veq.f32 v16, v51  }
0x106: {  	v10 =	vmin.f32 v10, v11;
	v11 =	vsel vm0, $0x41500000, v5;
	vm0 =	veq.f32 v9, v51  }
0x107: {  	v9 =	vmin.f32 v10, v11;
	v10 =	vsel vm0, $0x41600000, v5;
	vm0 =	veq.f32 v8, v51  }
0x108: {  	v8 =	vmin.f32 v9, v10;
	v9 =	vsel vm0, $0x41700000, v5  }
0x109: {  	v8 =	vmin.f32 v8, v9  }
0x10a: {  	v9 =	vperm.xlane v8, v0;
	_ =	sdelay $0x1  }
0x10b: {  	v8 =	vmin.f32 v8, v9  }
0x10c: {  	v9 =	vperm.xlane v8, v1;
	_ =	sdelay $0x1  }
0x10d: {  	v8 =	vmin.f32 v8, v9  }
0x10e: {  	v9 =	vperm.xlane v8, v2;
	_ =	sdelay $0x1  }
0x10f: {  	v8 =	vmin.f32 v8, v9  }
0x110: {  	v9 =	vperm.xlane v8, v3;
	_ =	sdelay $0x1  }
0x111: {  	v8 =	vmin.f32 v8, v9  }
0x112: {  	v8 =	vtrunc.f32 v8  }
0x113: {  	v8 =	vcvt.f32.s32 v8;
	_ =	sdelay $0x1  }
0x114: {  	v7 =	vshll.u32 v7, $0xC;
	v8 =	vshll.u32 v8, $0x8  }
0x115: {  	v7 =	vadd.s32 v7, v8  }
0x116: {  	v8 =	vor.u32 v19, v7  }
0x117: {  	v10 =	vor.u32 v32, v7;
	v9 =	vand.u32 v31, v8  }
0x118: {  	v11 =	vand.u32 v33, v10  }
0x119: {  	v12 =	vor.u32 v34, v7  }
0x11a: {  	v14 =	vor.u32 v36, v7;
	v13 =	vand.u32 v35, v12  }
0x11b: {  	v16 =	vor.u32 v38, v7;
	v15 =	vand.u32 v37, v14  }
0x11c: {  	v17 =	vand.u32 v39, v16;
	v9 =	vld.idx.msk [tilespmem:v9+s3+$0x0], $0xffff  }
0x11d: {  	v18 =	vor.u32 v40, v7;
	v11 =	vld.idx.msk [tilespmem:v11+s3+$0x0], $0xffff  }
0x11e: {  	v57 =	vand.u32 v41, v18  }
0x11f: {  	v13 =	vld.idx.msk [tilespmem:v13+s3+$0x0], $0xffff  }
0x120: {  	v58 =	vor.u32 v42, v7;
	v8 =	vcvt.s32.f32 v8;
	v15 =	vld.idx.msk [tilespmem:v15+s3+$0x0], $0xffff  }
0x121: {  	v10 =	vcvt.s32.f32 v10;
	v54 =	vand.u32 v43, v58;
	v17 =	vld.idx.msk [tilespmem:v17+s3+$0x0], $0xffff  }
0x122: {  	v8 =	vmin.f32 v8, $1.073741820e+09;
	vm0 =	veq.f32 v9, v51;
	vm2 =	veq.f32 v11, v51  }
0x123: {  	v11 =	vld.idx.msk [tilespmem:v57+s3+$0x0], $0xffff;
	v8 =	vnsel vm0, $0x4E800000, v8;
	v9 =	vnsel vm2, $0x4E800000, v10;
	v10 =	vcvt.s32.f32 v12  }
0x124: {  	vm0 =	veq.f32 v13, v51;
	v8 =	vmin.f32 v8, v9;
	v9 =	vcvt.s32.f32 v14  }
0x125: {  	v12 =	vcvt.s32.f32 v16;
	v10 =	vnsel vm0, $0x4E800000, v10;
	vm0 =	veq.f32 v15, v51  }
0x126: {  	v8 =	vmin.f32 v8, v10;
	v9 =	vnsel vm0, $0x4E800000, v9;
	vm0 =	veq.f32 v17, v51;
	v10 =	vld.idx.msk [tilespmem:v54+s3+$0x0], $0xffff  }
0x127: {  	v8 =	vmin.f32 v8, v9;
	v9 =	vnsel vm0, $0x4E800000, v12;
	v12 =	vcvt.s32.f32 v18  }
0x128: {  	vm0 =	veq.f32 v11, v51;
	v8 =	vmin.f32 v8, v9;
	v9 =	vor.u32 v44, v7  }
0x129: {  	v13 =	vor.u32 v46, v7;
	v11 =	vnsel vm0, $0x4E800000, v12;
	v12 =	vand.u32 v45, v9  }
0x12a: {  	v16 =	vor.u32 v48, v7;
	v14 =	vcvt.s32.f32 v58;
	v15 =	vand.u32 v47, v13  }
0x12b: {  	v55 =	vor.u32 $0xFFFFFF8D, v20;
	vm0 =	veq.f32 v10, v51;
	v10 =	vand.u32 v25, v16  }
0x12c: {  	v8 =	vmin.f32 v8, v11;
	v11 =	vnsel vm0, $0x4E800000, v14;
	v14 =	vor.u32 v59, v7  }
0x12d: {  	v17 =	vor.u32 v61, v7;
	v8 =	vmin.f32 v8, v11;
	v11 =	vand.u32 v60, v14  }
0x12e: {  	v52 =	vor.u32 v63, v7;
	v57 =	vor.u32 $0xFFFFFF8C, v20;
	v18 =	vand.u32 v62, v17;
	v12 =	vld.idx.msk [tilespmem:v12+s3+$0x0], $0xffff  }
0x12f: {  	v56 =	vor.u32 $0xE, v19;
	v53 =	vand.u32 v57, v52;
	v58 =	vor.u32 $0xD, v19;
	v15 =	vld.idx.msk [tilespmem:v15+s3+$0x0], $0xffff  }
0x130: {  	v56 =	vor.u32 v56, v7;
	v57 =	vor.u32 $0xFFFFFF8E, v20;
	v54 =	vor.u32 v58, v7;
	v10 =	vld.idx.msk [tilespmem:v10+s3+$0x0], $0xffff  }
0x131: {  	v57 =	vand.u32 v57, v56;
	v58 =	vor.u32 $0xF, v19;
	v55 =	vand.u32 v55, v54  }
0x132: {  	v9 =	vcvt.s32.f32 v9;
	v7 =	vor.u32 v58, v7;
	v58 =	vor.u32 $0xFFFFFF8F, v20;
	v11 =	vld.idx.msk [tilespmem:v11+s3+$0x0], $0xffff  }
0x133: {  	vm0 =	veq.f32 v12, v51;
	v12 =	vcvt.s32.f32 v13;
	v13 =	vld.idx.msk [tilespmem:v18+s3+$0x0], $0xffff;
	v18 =	vand.u32 v58, v7  }
0x134: {  	vm2 =	veq.f32 v15, v51;
	v15 =	vcvt.s32.f32 v16;
	v16 =	vld.idx.msk [tilespmem:v53+s3+$0x0], $0xffff;
	v9 =	vnsel vm0, $0x4E800000, v9  }
0x135: {  	v8 =	vmin.f32 v8, v9;
	vm0 =	veq.f32 v10, v51;
	v9 =	vnsel vm2, $0x4E800000, v12  }
0x136: {  	v10 =	vcvt.s32.f32 v14;
	v12 =	vld.idx.msk [tilespmem:v55+s3+$0x0], $0xffff;
	v8 =	vmin.f32 v8, v9;
	v9 =	vnsel vm0, $0x4E800000, v15  }
0x137: {  	v8 =	vmin.f32 v8, v9;
	vm0 =	veq.f32 v11, v51;
	v9 =	vcvt.s32.f32 v17;
	v11 =	vld.idx.msk [tilespmem:v57+s3+$0x0], $0xffff  }
0x138: {  	vm2 =	veq.f32 v13, v51;
	v10 =	vnsel vm0, $0x4E800000, v10;
	v13 =	vcvt.s32.f32 v52;
	v14 =	vld.idx.msk [tilespmem:v18+s3+$0x0], $0xffff  }
0x139: {  	vm0 =	veq.f32 v16, v51;
	v8 =	vmin.f32 v8, v10;
	v9 =	vnsel vm2, $0x4E800000, v9  }
0x13a: {  	v10 =	vcvt.s32.f32 v54;
	v8 =	vmin.f32 v8, v9;
	v9 =	vnsel vm0, $0x4E800000, v13  }
0x13b: {  	vm0 =	veq.f32 v12, v51;
	v8 =	vmin.f32 v8, v9;
	v9 =	vcvt.s32.f32 v56  }
0x13c: {  	v7 =	vcvt.s32.f32 v7;
	v10 =	vnsel vm0, $0x4E800000, v10;
	vm0 =	veq.f32 v11, v51  }
0x13d: {  	v8 =	vmin.f32 v8, v10;
	v9 =	vnsel vm0, $0x4E800000, v9;
	vm0 =	veq.f32 v14, v51  }
0x13e: {  	v8 =	vmin.f32 v8, v9;
	v7 =	vnsel vm0, $0x4E800000, v7  }
0x13f: {  	v7 =	vmin.f32 v8, v7  }
0x140: {  	v8 =	vperm.xlane v7, v0;
	_ =	sdelay $0x1  }
0x141: {  	v7 =	vmin.f32 v7, v8  }
0x142: {  	v8 =	vperm.xlane v7, v1;
	_ =	sdelay $0x1  }
0x143: {  	v7 =	vmin.f32 v7, v8  }
0x144: {  	v8 =	vperm.xlane v7, v2;
	_ =	sdelay $0x1  }
0x145: {  	v7 =	vmin.f32 v7, v8  }
0x146: {  	v8 =	vperm.xlane v7, v3;
	_ =	sdelay $0x1  }
0x147: {  	v7 =	vmin.f32 v7, v8  }
0x148: {  	v7 =	vtrunc.f32 v7  }
0x149: {  	v7 =	vcvt.f32.s32 v7;
	_ =	sdelay $0x1  }
0x14a: {  	v8 =	vand.u32 $0xFFFFFF0F, v7  }
0x14b: {  	v8 =	vor.u32 v19, v8;
	_ =	sdelay $0x4  }
0x14c: {  	v9 =	vld.idx.msk [tilespmem:v8+s3+$0x0], $0xffff;
	_ =	sdelay $0x3  }
0x14d: {  	vm0 =	veq.s32 v8, v7  }
0x14e: {  	v9 =	vsel vm0, $0xFF800000, v9  }
0x14f: {  	v11 =	vshra.s32 v7, $0x4;
	v10 =	vperm.xlane v9, v0  }
0x150: {  	v11 =	vand.u32 $0xFFFFFFF0, v11  }
0x151: {  	v11 =	vor.u32 v6, v11;
	v10 =	vmax.f32 v9, v10  }
0x152: {  	v12 =	vperm.xlane v10, v1;
	_ =	sdelay $0x1  }
0x153: {  	v10 =	vmax.f32 v10, v12  }
0x154: {  	[tilespmem:v8+s3+$0x0] =	vst.idx.msk $0xffff, v9;
	v9 =	vshra.s32 v7, $0xC;
	v8 =	vperm.xlane v10, v2  }
0x155: {  	v13 =	vld.idx.msk [tilespmem:v11+s31+$0x0], $0xffff;
	v14 =	vshll.u32 v9, $0x8;
	v12 =	vand.u32 $0xF, v7  }
0x156: {  	v8 =	vmax.f32 v10, v8;
	v10 =	vor.u32 v12, v14  }
0x157: {  	v14 =	vperm.xlane v8, v3;
	v10 =	vor.u32 v19, v10;
	_ =	sdelay $0x1  }
0x158: {  	vm2 =	veq.s32 v12, v6;
	v8 =	vmax.f32 v8, v14  }
0x159: {  	v8 =	vsel vm2, v8, v13  }
0x15a: {  	[tilespmem:v11+s31+$0x0] =	vst.idx.msk $0xffff, v8  }
0x15b: {  	v8 =	vld.idx.msk [tilespmem:v10+s31+$0x0], $0xffff;
	_ =	sdelay $0x4  }
0x15c: {  	v10 =	vperm.xlane v8, v0;
	_ =	sdelay $0x1  }
0x15d: {  	v8 =	vmax.f32 v8, v10  }
0x15e: {  	v10 =	vperm.xlane v8, v1;
	_ =	sdelay $0x1  }
0x15f: {  	v8 =	vmax.f32 v8, v10  }
0x160: {  	v9 =	vshll.u32 v9, $0x4;
	v11 =	vshra.s32 v7, $0x1F;
	v10 =	vperm.xlane v8, v2  }
0x161: {  	v9 =	vor.u32 v6, v9;
	v11 =	vshrl.u32 v11, $0x18  }
0x162: {  	v8 =	vmax.f32 v8, v10;
	v10 =	vadd.s32 v11, v7  }
0x163: {  	v12 =	vand.u32 $0xFFFFFF00, v10  }
0x164: {  	vm3 =	vlt.s32 v7, $0x1;
	v13 =	vand.u32 $0xFF, v7;
	vm0 =	vne.s32 v7, v12;
	v7 =	vld [tilespmem:$0x1FEF0]  }
0x165: {  	v16 =	vld [tilespmem:$0x1FEE0]  }
0x166: {  	v11 =	vperm.xlane v8, v3;
	v12 =	vld.idx.msk [tilespmem:v9+s2+$0x0], $0xffff  }
0x167: {  	v49 =	vimm.s32 $0x0;
	vm0 =	vmand vm3, vm0  }
0x168: {  	v10 =	vshra.s32 v10, $0x8;
	v8 =	vmax.f32 v8, v11;
	v11 =	vsel vm0, $0xFFFFFFFF, v49  }
0x169: {  	v10 =	vadd.s32 v11, v10;
	v7 =	vmul.u32 v7, v13  }
0x16a: {  	v10 =	vmul.u32 v16, v10  }
0x16b: {  	v8 =	vsel vm2, v8, v12;
	v13 =	vand.u32 $0xFF, v7;
	v11 =	vshra.s32 v7, $0x1F  }
0x16c: {  	vm3 =	vlt.s32 v7, $0x1;
	vm0 =	vne.s32 v13, $0x0;
	v11 =	vshrl.u32 v11, $0x18  }
0x16d: {  	v13 =	vimm.s32 $0x0;
	v7 =	vadd.s32 v11, v7;
	vm0 =	vmand vm3, vm0  }
0x16e: {  	v12 =	vshra.s32 v10, $0x1F;
	v7 =	vshra.s32 v7, $0x8;
	v11 =	vsel vm0, $0xFFFFFFFF, v13  }
0x16f: {  	v7 =	vadd.s32 v11, v7;
	v11 =	vshrl.u32 v12, $0x18;
	v12 =	vand.u32 $0xFF, v10  }
0x170: {  	s1 =	sadd.s32 $0xFFFFFFFF, s23;
	p0 =	sne.s32 s23, $0x9;
	vm0 =	vlt.s32 v10, $0x1;
	v11 =	vadd.s32 v11, v10;
	vm2 =	vne.s32 v12, $0x0  }
.Ltmp3:
0x171: {  	v10 =	vshra.s32 v11, $0x8;
	vm0 =	vmand vm0, vm2;
	v11 =	vmov s1;
	(pc) =	sbr.rel @p0 .LBB2_7-.Ltmp3, $3  }
0x172: {  	v12 =	vsel vm0, $0xFFFFFFFF, v13;
	vm0 =	veq.s32 v11, v6;
	v11 =	vmov s23;
	_ =	sdelay $0x1  }
0x173: {  	v15 =	vmovc v24;
	v10 =	vadd.s32 v12, v10;
	v7 =	vsel vm0, v7, v50;
	vm0 =	veq.s32 v11, v6  }
0x174: {  	v14 =	vmovc v23;
	[tilespmem:v9+s2+$0x0] =	vst.idx.msk $0xffff, v8;
	s23 =	sadd.s32 $0x2, s23;
	v50 =	vsel vm0, v10, v7;
	v12 =	vmov v22;
	v11 =	vmov v4  }
0x175: {  	s1 =	smul.u32 $0xA, s0  }
0x176: {  	s0 =	sadd.s32 $0x1, s0  }
0x177: {  	p0 =	sne.s32 s0, $0x4;
	v7 =	vadd.s32 s1, v6  }
.Ltmp4:
0x178: {  	_ = 	snop;
	(pc) =	sbr.rel @p0 .LBB2_2-.Ltmp4, $3  }
0x179: {  	_ =	sdelay $0x1  }
0x17a: {  	s29 =	simm.s32 $0x11180  }
0x17b: {  	[tilespmem:v7+s29+$0x0] =	vst.idx.msk $0xffff, v50  }
0x17c: {  	s0 =	rddreg [dreg:$0x5];
	s1 =	simm.s32 $0x11180;
	s4 =	simm.s32 $0x2  }
0x17d: {  	[hbm4b:s0+s3] =	stream.linear.scatter [tilespmem:s1], [sflag:$0x2], $0x28, $0x38;
	[tilespmem:$0x11200] =	vst v63  }
0x17e: {  	_ =	swait.ge [sflag:s4], $0x28  }
0x17f: {  	s28 =	rddreg [dreg:$0x7]  }
0x180: {  	s29 =	rddreg [dreg:$0x6];
	s1 =	sadd.s32 $0x1, s28  }
0x181: {  	p0 =	sne.s32 s1, s29  }
.Ltmp5:
0x182: {  	_ = 	snop;
	(pc) =	sbr.rel @p0 .LBB2_1-.Ltmp5, $3  }
0x183: {  	_ =	sdelay $0x1  }
0x184: {  	[sflag:s4] =	ssyncset.done $0x0  }
0x185: {  	[sflag:s4] =	ssyncadd.s32 $0xFFFFFFD8  }
0x186: {  	_ =	sfence.sel $0x180000  }
0x187: {  	[bflag:$0x0] =	sbarrier.arrive $0xFFFF  }
0x188: {  	_ =	strace $0x90000047  }
0x189: {  	s0 =	stileid.u32;
	[bflag:$0x2] =	sbarrier.arrive $0xFFFF  }
0x18a: {  	p0 =	sne.s32 s0, $0x0;
	s0 =	rddreg [dreg:$0x3]  }
0x18b: {  	s0 =	sadd.s32 @!p0 $0x100000, s0  }
0x18c: {  	[sflag:s0] =	ssyncadd.tile.s32 @!p0 $0x1;
	_ =	shalt  }
.Lfunc_end2:
_tile_overlayer_lowered:
.L_overlay_start_2:
0x18d: {  	(tag) =	ssettag $0x2  }
0x18e: {  	s0 =	rddreg [dreg:$0x0];
	s2 =	stileid.u32  }
0x18f: {  	s1 =	rddreg [dreg:$0x1];
	p0 =	sne.s32 s2, $0x0  }
0x190: {  	s3 =	rddreg [dreg:$0x2];
	[bflag:$0x3] =	sbarrier.arrive $0xFFFF;
	s2 =	simm.s32 @!p0 $0x1C02  }
0x191: {  	[timem:s3], [sflag:s2] =	dma.local @!p0 [hbm:s0], s1  }
0x192: {  	s0 =	simm.s32 @!p0 $0x2  }
0x193: {  	_ =	swait.ge @!p0 [sflag:s0], s1  }
0x194: {  	s1 =	ssub.s32 @!p0 $0x0, s1;
	[sflag:s0] =	ssyncset.done @!p0 $0x0  }
0x195: {  	[sflag:s0] =	ssyncadd.s32 @!p0 s1  }
0x196: {  	[bflag:$0x3] =	sbarrier.arrive $0xFFFF  }
0x197: {  	_ =	shalt  }

</sc_bundles>
